<compile_context>
chip_gen: v7x
topology: tpu7x:2x2x1
jax: 0.10.2.dev20260603
libtpu: 0.0.44.dev20260713+nightly
codegen_flags: <defaults>
</compile_context>

<pallas_src>
import functools

import jax
import jax.numpy as jnp
from jax import lax
from jax.experimental import pallas as pl
from jax.experimental.pallas import tpu as pltpu
from jax.experimental.pallas import tpu_sc as plsc

EMBED = 32
B = 1024
NPLANE = 50 * 20
NC = 2
NS = 16
NW = NC * NS
NUNIT = NPLANE * 4
UPW = NUNIT // NW
UFLOATS = 8 * B
PPW = 32


def _body(idx_hbm, tab_hbm, out_hbm, idx_v, tab_v, buf, sem0, sem1):
    wid = lax.axis_index("s") * NC + lax.axis_index("c")
    u0 = wid * UPW
    pstart = (wid * UPW) // 4
    pltpu.sync_copy(idx_hbm.at[pl.ds(pstart * B, PPW * B)], idx_v)
    pltpu.sync_copy(tab_hbm, tab_v)

    iota = lax.iota(jnp.int32, 16)

    def do_unit(u, obuf):
        q = u // 4
        dbase = (u % 4) * 8 * 128
        lp = q - pstart

        dvecs = [
            jnp.full((16,), dbase + ds_ * 128, jnp.int32) for ds_ in range(8)
        ]

        @plsc.parallel_loop(0, B // 16, unroll=2)
        def _(bc):
            iv = idx_v[pl.ds(lp * B + bc * 16, 16)]
            boff = (bc // 8) * 1024 + (bc % 8) * 16
            for ds_ in range(8):
                obuf[pl.ds(boff + ds_ * 128, 16)] = plsc.load_gather(
                    tab_v, [dvecs[ds_] + iv]
                )

    def fire(u, obuf, sem):
        q = u // 4
        pout = (q % 50) * 20 + q // 50
        pltpu.async_copy(
            obuf, out_hbm.at[pl.ds((pout * 4 + u % 4) * UFLOATS, UFLOATS)], sem
        )

    def drain(sem):
        pltpu.make_async_copy(
            out_hbm.at[pl.ds(0, UFLOATS)], buf.at[0], sem
        ).wait()

    def pair(i, carry):
        u = u0 + 2 * i

        @pl.when(i > 0)
        def _():
            drain(sem0)

        do_unit(u, buf.at[0])
        fire(u, buf.at[0], sem0)

        @pl.when(i > 0)
        def _():
            drain(sem1)

        do_unit(u + 1, buf.at[1])
        fire(u + 1, buf.at[1], sem1)
        return carry

    lax.fori_loop(0, UPW // 2, pair, 0)
    drain(sem0)
    do_unit(u0 + UPW - 1, buf.at[0])
    fire(u0 + UPW - 1, buf.at[0], sem0)
    drain(sem0)
    drain(sem1)


def kernel(inputs, table):
    b, t, c = inputs.shape
    n = b * t * c
    idx = jnp.transpose(inputs, (2, 1, 0)).reshape(n).astype(jnp.int32)
    tab = table.T.reshape(table.shape[0] * table.shape[1])

    mesh = plsc.VectorSubcoreMesh(
        core_axis_name="c", subcore_axis_name="s", num_cores=NC, num_subcores=NS
    )
    run = pl.kernel(
        _body,
        out_type=jax.ShapeDtypeStruct((n * EMBED,), jnp.float32),
        mesh=mesh,
        scratch_types=[
            pltpu.VMEM((PPW * B,), jnp.int32),
            pltpu.VMEM((tab.shape[0],), jnp.float32),
            pltpu.VMEM((2, UFLOATS), jnp.float32),
            pltpu.SemaphoreType.DMA,
            pltpu.SemaphoreType.DMA,
        ],
        compiler_params=pltpu.CompilerParams(
            use_tc_tiling_on_sc=False, needs_layout_passes=False
        ),
    )
    flat = run(idx, tab)
    out6 = flat.reshape(t, c, EMBED // 8, B // 128, 8, 128)
    return out6.transpose(3, 5, 0, 1, 2, 4).reshape(b, t, c, EMBED)

# --- scband reference (transcript-rebuilt; emitter-appended) ---
"""Pipeline reference for scband-character-embedding-24790551232842 (READ-ONLY COPY).

The authoritative reference and input builder live on the scoring server;
editing this copy changes nothing except your own understanding.
"""

import jax, jax.numpy as jnp
import numpy as np

VOCAB = 128
EMBED_DIM = 32

def setup_inputs(seed: int = 0) -> dict:
    key = jax.random.key(seed)
    k1, k2 = jax.random.split(key)
    inputs = jax.random.randint(k1, (1024, 50, 20), 0, VOCAB, dtype=jnp.int64 if jax.config.jax_enable_x64 else jnp.int32)
    # Embedding table initialized with RandomUniform(-0.5, 0.5) as in the Keras layer
    table = jax.random.uniform(k2, (VOCAB, EMBED_DIM), dtype=jnp.float32, minval=-0.5, maxval=0.5)
    return {"inputs": inputs, "table": table}

def reference(inputs, table):
    # TimeDistributed(Embedding) is equivalent to a plain embedding lookup applied
    # over the leading (batch, time) dims: output[b, t, c, :] = table[inputs[b, t, c]]
    embedded_chars = jnp.take(table, inputs, axis=0)
    return embedded_chars

if __name__ == "__main__":
    import jax
    _d = setup_inputs()
    print(jax.jit(kernel)(*tuple(_d.values())))

</pallas_src>

<mosaic_0001>
#map = affine_map<(d0, d1) -> (0)>
module attributes {stable_mosaic.version = 14 : i64} {
  func.func @_body(%arg0: i32, %arg1: i32, %arg2: memref<1024000xi32, #tpu.memory_space<hbm>>, %arg3: memref<4096xf32, #tpu.memory_space<hbm>>, %arg4: memref<32768000xf32, #tpu.memory_space<hbm>>, %arg5: memref<32768xi32, #tpu.memory_space<vmem>>, %arg6: memref<4096xf32, #tpu.memory_space<vmem>>, %arg7: memref<2x8192xf32, #tpu.memory_space<vmem>>, %arg8: memref<!tpu.dma_semaphore, #tpu.memory_space<semaphore_mem>>, %arg9: memref<!tpu.dma_semaphore, #tpu.memory_space<semaphore_mem>>) attributes {dimension_semantics = [#tpu.dimension_semantics<core_parallel>, #tpu.dimension_semantics<subcore_parallel>], iteration_bounds = array<i64: 2, 16>, scalar_prefetch = 0 : i64, scratch_operands = 5 : i64, tpu.core_type = #tpu.core_type<sc_vector_subcore>, window_params = [{transform_indices = #map}, {transform_indices = #map}, {transform_indices = #map}]} {
    %mul3A = arith.constant 2 : i32
    %mul3A_0 = arith.muli %arg1, %mul3A : i32
    %add3A = arith.addi %mul3A_0, %arg0 : i32
    %mul3A_1 = arith.constant 125 : i32
    %mul3A_2 = arith.muli %add3A, %mul3A_1 : i32
    %mul3A_3 = arith.constant 125 : i32
    %mul3A_4 = arith.muli %add3A, %mul3A_3 : i32
    %jit3A = arith.constant 4 : i32
    %div3A = arith.divsi %mul3A_4, %jit3A : i32
    %sign3A = arith.constant 0 : i32
    %sign3A_5 = arith.cmpi sgt, %mul3A_4, %sign3A : i32
    %sign3A_6 = arith.extui %sign3A_5 : i1 to i32
    %sign3A_7 = arith.constant 0 : i32
    %sign3A_8 = arith.cmpi slt, %mul3A_4, %sign3A_7 : i32
    %sign3A_9 = arith.extui %sign3A_8 : i1 to i32
    %sign3A_10 = arith.subi %sign3A_6, %sign3A_9 : i32
    %sign3A_11 = arith.constant 0 : i32
    %sign3A_12 = arith.cmpi sgt, %jit3A, %sign3A_11 : i32
    %sign3A_13 = arith.extui %sign3A_12 : i1 to i32
    %sign3A_14 = arith.constant 0 : i32
    %sign3A_15 = arith.cmpi slt, %jit3A, %sign3A_14 : i32
    %sign3A_16 = arith.extui %sign3A_15 : i1 to i32
    %sign3A_17 = arith.subi %sign3A_13, %sign3A_16 : i32
    %ne3A = arith.cmpi ne, %sign3A_10, %sign3A_17 : i32
    %rem3A = arith.remsi %mul3A_4, %jit3A : i32
    %ne3A_18 = arith.constant 0 : i32
    %ne3A_19 = arith.cmpi ne, %rem3A, %ne3A_18 : i32
    %and3A = arith.andi %ne3A, %ne3A_19 : i1
    %sub3A = arith.constant 1 : i32
    %sub3A_20 = arith.subi %div3A, %sub3A : i32
    %select_n3A = arith.select %and3A, %sub3A_20, %div3A : i32
    %mul3A_21 = arith.constant 1024 : i32
    %mul3A_22 = arith.muli %select_n3A, %mul3A_21 : i32
    "tpu.region"() ({
      %run_scoped3A = tpu.sem_alloc : memref<!tpu.dma_semaphore, #tpu.memory_space<semaphore_mem>>
      %dma_start3A_233 = tpu.memref_slice %arg2[%mul3A_22] : memref<1024000xi32, #tpu.memory_space<hbm>> -> memref<32768xi32, #tpu.memory_space<hbm>>
      %dma_start3A_234 = tpu.memref_slice %arg2[%mul3A_22] : memref<1024000xi32, #tpu.memory_space<hbm>> -> memref<32768xi32, #tpu.memory_space<hbm>>
      tpu.enqueue_dma source(%dma_start3A_234 : memref<32768xi32, #tpu.memory_space<hbm>>) target(%arg5 : memref<32768xi32, #tpu.memory_space<vmem>>) target_semaphore(%run_scoped3A : memref<!tpu.dma_semaphore, #tpu.memory_space<semaphore_mem>>)
      %dma_wait3A_235 = tpu.memref_slice %arg2[%mul3A_22] : memref<1024000xi32, #tpu.memory_space<hbm>> -> memref<32768xi32, #tpu.memory_space<hbm>>
      %dma_wait3A_236 = tpu.memref_slice %arg2[%mul3A_22] : memref<1024000xi32, #tpu.memory_space<hbm>> -> memref<32768xi32, #tpu.memory_space<hbm>>
      tpu.wait_dma2 semaphore(%run_scoped3A : memref<!tpu.dma_semaphore, #tpu.memory_space<semaphore_mem>>) src(%dma_wait3A_236 : memref<32768xi32, #tpu.memory_space<hbm>>) dst(%arg5 : memref<32768xi32, #tpu.memory_space<vmem>>)
      tpu.yield
    }) : () -> ()
    "tpu.region"() ({
      %run_scoped3A = tpu.sem_alloc : memref<!tpu.dma_semaphore, #tpu.memory_space<semaphore_mem>>
      tpu.enqueue_dma source(%arg3 : memref<4096xf32, #tpu.memory_space<hbm>>) target(%arg6 : memref<4096xf32, #tpu.memory_space<vmem>>) target_semaphore(%run_scoped3A : memref<!tpu.dma_semaphore, #tpu.memory_space<semaphore_mem>>)
      tpu.wait_dma2 semaphore(%run_scoped3A : memref<!tpu.dma_semaphore, #tpu.memory_space<semaphore_mem>>) src(%arg3 : memref<4096xf32, #tpu.memory_space<hbm>>) dst(%arg6 : memref<4096xf32, #tpu.memory_space<vmem>>)
      tpu.yield
    }) : () -> ()
    %iota3A = tpu.iota {dimensions = array<i32: 0>} : vector<16xi32>
    %scan3A = arith.constant 0 : i32
    %scan3A_23 = arith.constant 0 : i32
    %scan3A_24 = arith.constant 62 : i32
    %scan3A_25 = arith.addi %scan3A_23, %scan3A_24 : i32
    %scan3A_26 = arith.constant 1 : i32
    scf.for %scan3A_233 = %scan3A_23 to %scan3A_25 step %scan3A_26  : i32 {
      %mul3A_234 = arith.constant 2 : i32
      %mul3A_235 = arith.muli %mul3A_234, %scan3A_233 : i32
      %add3A_236 = arith.addi %mul3A_2, %mul3A_235 : i32
      %gt3A = arith.constant 0 : i32
      %gt3A_237 = arith.cmpi sgt, %scan3A_233, %gt3A : i32
      %convert_element_type3A = arith.extui %gt3A_237 : i1 to i32
      %cond3A = arith.constant 0 : i32
      %cond3A_238 = arith.cmpi ne, %convert_element_type3A, %cond3A : i32
      scf.if %cond3A_238 {
        %dma_wait3A_588 = arith.constant 0 : i32
        %dma_wait3A_589 = arith.constant 0 : i32
        %dma_wait3A_590 = tpu.memref_slice %arg7[%dma_wait3A_588, %dma_wait3A_589] : memref<2x8192xf32, #tpu.memory_space<vmem>> -> memref<1x8192xf32, #tpu.memory_space<vmem>>
        %dma_wait3A_591 = tpu.memref_squeeze %dma_wait3A_590 : memref<1x8192xf32, #tpu.memory_space<vmem>> -> memref<8192xf32, #tpu.memory_space<vmem>>
        %dma_wait3A_592 = arith.constant 0 : i32
        %dma_wait3A_593 = tpu.memref_slice %arg4[%dma_wait3A_592] : memref<32768000xf32, #tpu.memory_space<hbm>> -> memref<8192xf32, #tpu.memory_space<hbm>>
        %dma_wait3A_594 = arith.constant 0 : i32
        %dma_wait3A_595 = tpu.memref_slice %arg7[%dma_wait3A_588, %dma_wait3A_594] : memref<2x8192xf32, #tpu.memory_space<vmem>> -> memref<1x8192xf32, #tpu.memory_space<vmem>>
        %dma_wait3A_596 = tpu.memref_squeeze %dma_wait3A_595 : memref<1x8192xf32, #tpu.memory_space<vmem>> -> memref<8192xf32, #tpu.memory_space<vmem>>
        %dma_wait3A_597 = arith.constant 0 : i32
        %dma_wait3A_598 = tpu.memref_slice %arg4[%dma_wait3A_597] : memref<32768000xf32, #tpu.memory_space<hbm>> -> memref<8192xf32, #tpu.memory_space<hbm>>
        tpu.wait_dma2 semaphore(%arg8 : memref<!tpu.dma_semaphore, #tpu.memory_space<semaphore_mem>>) src(%dma_wait3A_598 : memref<8192xf32, #tpu.memory_space<hbm>>) dst(%dma_wait3A_596 : memref<8192xf32, #tpu.memory_space<vmem>>)
      } else {
      }
      %jit3A_239 = arith.constant 4 : i32
      %div3A_240 = arith.divsi %add3A_236, %jit3A_239 : i32
      %sign3A_241 = arith.constant 0 : i32
      %sign3A_242 = arith.cmpi sgt, %add3A_236, %sign3A_241 : i32
      %sign3A_243 = arith.extui %sign3A_242 : i1 to i32
      %sign3A_244 = arith.constant 0 : i32
      %sign3A_245 = arith.cmpi slt, %add3A_236, %sign3A_244 : i32
      %sign3A_246 = arith.extui %sign3A_245 : i1 to i32
      %sign3A_247 = arith.subi %sign3A_243, %sign3A_246 : i32
      %sign3A_248 = arith.constant 0 : i32
      %sign3A_249 = arith.cmpi sgt, %jit3A_239, %sign3A_248 : i32
      %sign3A_250 = arith.extui %sign3A_249 : i1 to i32
      %sign3A_251 = arith.constant 0 : i32
      %sign3A_252 = arith.cmpi slt, %jit3A_239, %sign3A_251 : i32
      %sign3A_253 = arith.extui %sign3A_252 : i1 to i32
      %sign3A_254 = arith.subi %sign3A_250, %sign3A_253 : i32
      %ne3A_255 = arith.cmpi ne, %sign3A_247, %sign3A_254 : i32
      %rem3A_256 = arith.remsi %add3A_236, %jit3A_239 : i32
      %ne3A_257 = arith.constant 0 : i32
      %ne3A_258 = arith.cmpi ne, %rem3A_256, %ne3A_257 : i32
      %and3A_259 = arith.andi %ne3A_255, %ne3A_258 : i1
      %sub3A_260 = arith.constant 1 : i32
      %sub3A_261 = arith.subi %div3A_240, %sub3A_260 : i32
      %select_n3A_262 = arith.select %and3A_259, %sub3A_261, %div3A_240 : i32
      %jit3A_263 = arith.constant 4 : i32
      %eq3A_264 = arith.constant 0 : i32
      %eq3A_265 = arith.cmpi eq, %jit3A_263, %eq3A_264 : i32
      %jit3A_266 = arith.constant 1 : i32
      %select_n3A_267 = arith.select %eq3A_265, %jit3A_266, %jit3A_263 : i32
      %rem3A_268 = arith.remsi %add3A_236, %select_n3A_267 : i32
      %ne3A_269 = arith.constant 0 : i32
      %ne3A_270 = arith.cmpi ne, %rem3A_268, %ne3A_269 : i32
      %lt3A_271 = arith.constant 0 : i32
      %lt3A_272 = arith.cmpi slt, %rem3A_268, %lt3A_271 : i32
      %lt3A_273 = arith.constant 0 : i32
      %lt3A_274 = arith.cmpi slt, %select_n3A_267, %lt3A_273 : i32
      %ne3A_275 = arith.xori %lt3A_272, %lt3A_274 : i1
      %and3A_276 = arith.andi %ne3A_275, %ne3A_270 : i1
      %add3A_277 = arith.addi %rem3A_268, %select_n3A_267 : i32
      %select_n3A_278 = arith.select %and3A_276, %add3A_277, %rem3A_268 : i32
      %mul3A_279 = arith.constant 8 : i32
      %mul3A_280 = arith.muli %select_n3A_278, %mul3A_279 : i32
      %mul3A_281 = arith.constant 128 : i32
      %mul3A_282 = arith.muli %mul3A_280, %mul3A_281 : i32
      %sub3A_283 = arith.subi %select_n3A_262, %select_n3A : i32
      %add3A_284 = arith.constant 0 : i32
      %add3A_285 = arith.addi %mul3A_282, %add3A_284 : i32
      %broadcast_in_dim3A_286 = vector.broadcast %add3A_285 : i32 to vector<16xi32>
      %add3A_287 = arith.constant 128 : i32
      %add3A_288 = arith.addi %mul3A_282, %add3A_287 : i32
      %broadcast_in_dim3A_289 = vector.broadcast %add3A_288 : i32 to vector<16xi32>
      %add3A_290 = arith.constant 256 : i32
      %add3A_291 = arith.addi %mul3A_282, %add3A_290 : i32
      %broadcast_in_dim3A_292 = vector.broadcast %add3A_291 : i32 to vector<16xi32>
      %add3A_293 = arith.constant 384 : i32
      %add3A_294 = arith.addi %mul3A_282, %add3A_293 : i32
      %broadcast_in_dim3A_295 = vector.broadcast %add3A_294 : i32 to vector<16xi32>
      %add3A_296 = arith.constant 512 : i32
      %add3A_297 = arith.addi %mul3A_282, %add3A_296 : i32
      %broadcast_in_dim3A_298 = vector.broadcast %add3A_297 : i32 to vector<16xi32>
      %add3A_299 = arith.constant 640 : i32
      %add3A_300 = arith.addi %mul3A_282, %add3A_299 : i32
      %broadcast_in_dim3A_301 = vector.broadcast %add3A_300 : i32 to vector<16xi32>
      %add3A_302 = arith.constant 768 : i32
      %add3A_303 = arith.addi %mul3A_282, %add3A_302 : i32
      %broadcast_in_dim3A_304 = vector.broadcast %add3A_303 : i32 to vector<16xi32>
      %add3A_305 = arith.constant 896 : i32
      %add3A_306 = arith.addi %mul3A_282, %add3A_305 : i32
      %broadcast_in_dim3A_307 = vector.broadcast %add3A_306 : i32 to vector<16xi32>
      %parallel_loop3A_308 = arith.constant 0 : i32
      %parallel_loop3A_309 = arith.constant 64 : i32
      %parallel_loop3A_310 = arith.constant 1 : i32
      %parallel_loop3A_311 = arith.constant 0 : i32
      scf.for %parallel_loop3A_588 = %parallel_loop3A_308 to %parallel_loop3A_309 step %parallel_loop3A_310  : i32 {
        %parallel_loop3A_589 = arith.constant 1024 : i32
        %parallel_loop3A_590 = arith.muli %sub3A_283, %parallel_loop3A_589 : i32
        %parallel_loop3A_591 = arith.constant 16 : i32
        %parallel_loop3A_592 = arith.muli %parallel_loop3A_588, %parallel_loop3A_591 : i32
        %parallel_loop3A_593 = arith.addi %parallel_loop3A_590, %parallel_loop3A_592 : i32
        %parallel_loop3A_594 = arith.index_cast %parallel_loop3A_593 : i32 to index
        %parallel_loop3A_595 = tpu.vector_load %arg5[%parallel_loop3A_594] {strides = array<i32>} : memref<32768xi32, #tpu.memory_space<vmem>>, vector<16xi32>,
        %parallel_loop3A_596 = arith.constant 8 : i32
        %parallel_loop3A_597 = arith.divsi %parallel_loop3A_588, %parallel_loop3A_596 : i32
        %parallel_loop3A_598 = arith.constant 0 : i32
        %parallel_loop3A_599 = arith.cmpi sgt, %parallel_loop3A_588, %parallel_loop3A_598 : i32
        %parallel_loop3A_600 = arith.extui %parallel_loop3A_599 : i1 to i32
        %parallel_loop3A_601 = arith.constant 0 : i32
        %parallel_loop3A_602 = arith.cmpi slt, %parallel_loop3A_588, %parallel_loop3A_601 : i32
        %parallel_loop3A_603 = arith.extui %parallel_loop3A_602 : i1 to i32
        %parallel_loop3A_604 = arith.subi %parallel_loop3A_600, %parallel_loop3A_603 : i32
        %parallel_loop3A_605 = arith.constant 0 : i32
        %parallel_loop3A_606 = arith.cmpi sgt, %parallel_loop3A_596, %parallel_loop3A_605 : i32
        %parallel_loop3A_607 = arith.extui %parallel_loop3A_606 : i1 to i32
        %parallel_loop3A_608 = arith.constant 0 : i32
        %parallel_loop3A_609 = arith.cmpi slt, %parallel_loop3A_596, %parallel_loop3A_608 : i32
        %parallel_loop3A_610 = arith.extui %parallel_loop3A_609 : i1 to i32
        %parallel_loop3A_611 = arith.subi %parallel_loop3A_607, %parallel_loop3A_610 : i32
        %parallel_loop3A_612 = arith.cmpi ne, %parallel_loop3A_604, %parallel_loop3A_611 : i32
        %parallel_loop3A_613 = arith.remsi %parallel_loop3A_588, %parallel_loop3A_596 : i32
        %parallel_loop3A_614 = arith.constant 0 : i32
        %parallel_loop3A_615 = arith.cmpi ne, %parallel_loop3A_613, %parallel_loop3A_614 : i32
        %parallel_loop3A_616 = arith.andi %parallel_loop3A_612, %parallel_loop3A_615 : i1
        %parallel_loop3A_617 = arith.constant 1 : i32
        %parallel_loop3A_618 = arith.subi %parallel_loop3A_597, %parallel_loop3A_617 : i32
        %parallel_loop3A_619 = arith.select %parallel_loop3A_616, %parallel_loop3A_618, %parallel_loop3A_597 : i32
        %parallel_loop3A_620 = arith.constant 1024 : i32
        %parallel_loop3A_621 = arith.muli %parallel_loop3A_619, %parallel_loop3A_620 : i32
        %parallel_loop3A_622 = arith.constant 8 : i32
        %parallel_loop3A_623 = arith.constant 0 : i32
        %parallel_loop3A_624 = arith.cmpi eq, %parallel_loop3A_622, %parallel_loop3A_623 : i32
        %parallel_loop3A_625 = arith.constant 1 : i32
        %parallel_loop3A_626 = arith.select %parallel_loop3A_624, %parallel_loop3A_625, %parallel_loop3A_622 : i32
        %parallel_loop3A_627 = arith.remsi %parallel_loop3A_588, %parallel_loop3A_626 : i32
        %parallel_loop3A_628 = arith.constant 0 : i32
        %parallel_loop3A_629 = arith.cmpi ne, %parallel_loop3A_627, %parallel_loop3A_628 : i32
        %parallel_loop3A_630 = arith.constant 0 : i32
        %parallel_loop3A_631 = arith.cmpi slt, %parallel_loop3A_627, %parallel_loop3A_630 : i32
        %parallel_loop3A_632 = arith.constant 0 : i32
        %parallel_loop3A_633 = arith.cmpi slt, %parallel_loop3A_626, %parallel_loop3A_632 : i32
        %parallel_loop3A_634 = arith.xori %parallel_loop3A_631, %parallel_loop3A_633 : i1
        %parallel_loop3A_635 = arith.andi %parallel_loop3A_634, %parallel_loop3A_629 : i1
        %parallel_loop3A_636 = arith.addi %parallel_loop3A_627, %parallel_loop3A_626 : i32
        %parallel_loop3A_637 = arith.select %parallel_loop3A_635, %parallel_loop3A_636, %parallel_loop3A_627 : i32
        %parallel_loop3A_638 = arith.constant 16 : i32
        %parallel_loop3A_639 = arith.muli %parallel_loop3A_637, %parallel_loop3A_638 : i32
        %parallel_loop3A_640 = arith.addi %parallel_loop3A_621, %parallel_loop3A_639 : i32
        %parallel_loop3A_641 = arith.addi %broadcast_in_dim3A_286, %parallel_loop3A_595 : vector<16xi32>
        %parallel_loop3A_642 = tpu.vector_load_idx %arg6[%parallel_loop3A_641] : memref<4096xf32, #tpu.memory_space<vmem>>[vector<16xi32>], vector<16xf32>,
        %parallel_loop3A_643 = arith.constant 0 : i32
        %parallel_loop3A_644 = arith.addi %parallel_loop3A_640, %parallel_loop3A_643 : i32
        %parallel_loop3A_645 = arith.constant 0 : i32
        %parallel_loop3A_646 = tpu.memref_slice %arg7[%parallel_loop3A_311, %parallel_loop3A_645] : memref<2x8192xf32, #tpu.memory_space<vmem>> -> memref<1x8192xf32, #tpu.memory_space<vmem>>
        %parallel_loop3A_647 = tpu.memref_squeeze %parallel_loop3A_646 : memref<1x8192xf32, #tpu.memory_space<vmem>> -> memref<8192xf32, #tpu.memory_space<vmem>>
        %parallel_loop3A_648 = arith.index_cast %parallel_loop3A_644 : i32 to index
        %parallel_loop3A_649 = tpu.vector_load %parallel_loop3A_647[%parallel_loop3A_648] {strides = array<i32>} : memref<8192xf32, #tpu.memory_space<vmem>>, vector<16xf32>,
        tpu.vector_store %parallel_loop3A_647[%parallel_loop3A_648], %parallel_loop3A_642 {strides = array<i32>} : memref<8192xf32, #tpu.memory_space<vmem>>, vector<16xf32>,
        %parallel_loop3A_650 = arith.addi %broadcast_in_dim3A_289, %parallel_loop3A_595 : vector<16xi32>
        %parallel_loop3A_651 = tpu.vector_load_idx %arg6[%parallel_loop3A_650] : memref<4096xf32, #tpu.memory_space<vmem>>[vector<16xi32>], vector<16xf32>,
        %parallel_loop3A_652 = arith.constant 128 : i32
        %parallel_loop3A_653 = arith.addi %parallel_loop3A_640, %parallel_loop3A_652 : i32
        %parallel_loop3A_654 = arith.constant 0 : i32
        %parallel_loop3A_655 = tpu.memref_slice %arg7[%parallel_loop3A_311, %parallel_loop3A_654] : memref<2x8192xf32, #tpu.memory_space<vmem>> -> memref<1x8192xf32, #tpu.memory_space<vmem>>
        %parallel_loop3A_656 = tpu.memref_squeeze %parallel_loop3A_655 : memref<1x8192xf32, #tpu.memory_space<vmem>> -> memref<8192xf32, #tpu.memory_space<vmem>>
        %parallel_loop3A_657 = arith.index_cast %parallel_loop3A_653 : i32 to index
        %parallel_loop3A_658 = tpu.vector_load %parallel_loop3A_656[%parallel_loop3A_657] {strides = array<i32>} : memref<8192xf32, #tpu.memory_space<vmem>>, vector<16xf32>,
        tpu.vector_store %parallel_loop3A_656[%parallel_loop3A_657], %parallel_loop3A_651 {strides = array<i32>} : memref<8192xf32, #tpu.memory_space<vmem>>, vector<16xf32>,
        %parallel_loop3A_659 = arith.addi %broadcast_in_dim3A_292, %parallel_loop3A_595 : vector<16xi32>
        %parallel_loop3A_660 = tpu.vector_load_idx %arg6[%parallel_loop3A_659] : memref<4096xf32, #tpu.memory_space<vmem>>[vector<16xi32>], vector<16xf32>,
        %parallel_loop3A_661 = arith.constant 256 : i32
        %parallel_loop3A_662 = arith.addi %parallel_loop3A_640, %parallel_loop3A_661 : i32
        %parallel_loop3A_663 = arith.constant 0 : i32
        %parallel_loop3A_664 = tpu.memref_slice %arg7[%parallel_loop3A_311, %parallel_loop3A_663] : memref<2x8192xf32, #tpu.memory_space<vmem>> -> memref<1x8192xf32, #tpu.memory_space<vmem>>
        %parallel_loop3A_665 = tpu.memref_squeeze %parallel_loop3A_664 : memref<1x8192xf32, #tpu.memory_space<vmem>> -> memref<8192xf32, #tpu.memory_space<vmem>>
        %parallel_loop3A_666 = arith.index_cast %parallel_loop3A_662 : i32 to index
        %parallel_loop3A_667 = tpu.vector_load %parallel_loop3A_665[%parallel_loop3A_666] {strides = array<i32>} : memref<8192xf32, #tpu.memory_space<vmem>>, vector<16xf32>,
        tpu.vector_store %parallel_loop3A_665[%parallel_loop3A_666], %parallel_loop3A_660 {strides = array<i32>} : memref<8192xf32, #tpu.memory_space<vmem>>, vector<16xf32>,
        %parallel_loop3A_668 = arith.addi %broadcast_in_dim3A_295, %parallel_loop3A_595 : vector<16xi32>
        %parallel_loop3A_669 = tpu.vector_load_idx %arg6[%parallel_loop3A_668] : memref<4096xf32, #tpu.memory_space<vmem>>[vector<16xi32>], vector<16xf32>,
        %parallel_loop3A_670 = arith.constant 384 : i32
        %parallel_loop3A_671 = arith.addi %parallel_loop3A_640, %parallel_loop3A_670 : i32
        %parallel_loop3A_672 = arith.constant 0 : i32
        %parallel_loop3A_673 = tpu.memref_slice %arg7[%parallel_loop3A_311, %parallel_loop3A_672] : memref<2x8192xf32, #tpu.memory_space<vmem>> -> memref<1x8192xf32, #tpu.memory_space<vmem>>
        %parallel_loop3A_674 = tpu.memref_squeeze %parallel_loop3A_673 : memref<1x8192xf32, #tpu.memory_space<vmem>> -> memref<8192xf32, #tpu.memory_space<vmem>>
        %parallel_loop3A_675 = arith.index_cast %parallel_loop3A_671 : i32 to index
        %parallel_loop3A_676 = tpu.vector_load %parallel_loop3A_674[%parallel_loop3A_675] {strides = array<i32>} : memref<8192xf32, #tpu.memory_space<vmem>>, vector<16xf32>,
        tpu.vector_store %parallel_loop3A_674[%parallel_loop3A_675], %parallel_loop3A_669 {strides = array<i32>} : memref<8192xf32, #tpu.memory_space<vmem>>, vector<16xf32>,
        %parallel_loop3A_677 = arith.addi %broadcast_in_dim3A_298, %parallel_loop3A_595 : vector<16xi32>
        %parallel_loop3A_678 = tpu.vector_load_idx %arg6[%parallel_loop3A_677] : memref<4096xf32, #tpu.memory_space<vmem>>[vector<16xi32>], vector<16xf32>,
        %parallel_loop3A_679 = arith.constant 512 : i32
        %parallel_loop3A_680 = arith.addi %parallel_loop3A_640, %parallel_loop3A_679 : i32
        %parallel_loop3A_681 = arith.constant 0 : i32
        %parallel_loop3A_682 = tpu.memref_slice %arg7[%parallel_loop3A_311, %parallel_loop3A_681] : memref<2x8192xf32, #tpu.memory_space<vmem>> -> memref<1x8192xf32, #tpu.memory_space<vmem>>
        %parallel_loop3A_683 = tpu.memref_squeeze %parallel_loop3A_682 : memref<1x8192xf32, #tpu.memory_space<vmem>> -> memref<8192xf32, #tpu.memory_space<vmem>>
        %parallel_loop3A_684 = arith.index_cast %parallel_loop3A_680 : i32 to index
        %parallel_loop3A_685 = tpu.vector_load %parallel_loop3A_683[%parallel_loop3A_684] {strides = array<i32>} : memref<8192xf32, #tpu.memory_space<vmem>>, vector<16xf32>,
        tpu.vector_store %parallel_loop3A_683[%parallel_loop3A_684], %parallel_loop3A_678 {strides = array<i32>} : memref<8192xf32, #tpu.memory_space<vmem>>, vector<16xf32>,
        %parallel_loop3A_686 = arith.addi %broadcast_in_dim3A_301, %parallel_loop3A_595 : vector<16xi32>
        %parallel_loop3A_687 = tpu.vector_load_idx %arg6[%parallel_loop3A_686] : memref<4096xf32, #tpu.memory_space<vmem>>[vector<16xi32>], vector<16xf32>,
        %parallel_loop3A_688 = arith.constant 640 : i32
        %parallel_loop3A_689 = arith.addi %parallel_loop3A_640, %parallel_loop3A_688 : i32
        %parallel_loop3A_690 = arith.constant 0 : i32
        %parallel_loop3A_691 = tpu.memref_slice %arg7[%parallel_loop3A_311, %parallel_loop3A_690] : memref<2x8192xf32, #tpu.memory_space<vmem>> -> memref<1x8192xf32, #tpu.memory_space<vmem>>
        %parallel_loop3A_692 = tpu.memref_squeeze %parallel_loop3A_691 : memref<1x8192xf32, #tpu.memory_space<vmem>> -> memref<8192xf32, #tpu.memory_space<vmem>>
        %parallel_loop3A_693 = arith.index_cast %parallel_loop3A_689 : i32 to index
        %parallel_loop3A_694 = tpu.vector_load %parallel_loop3A_692[%parallel_loop3A_693] {strides = array<i32>} : memref<8192xf32, #tpu.memory_space<vmem>>, vector<16xf32>,
        tpu.vector_store %parallel_loop3A_692[%parallel_loop3A_693], %parallel_loop3A_687 {strides = array<i32>} : memref<8192xf32, #tpu.memory_space<vmem>>, vector<16xf32>,
        %parallel_loop3A_695 = arith.addi %broadcast_in_dim3A_304, %parallel_loop3A_595 : vector<16xi32>
        %parallel_loop3A_696 = tpu.vector_load_idx %arg6[%parallel_loop3A_695] : memref<4096xf32, #tpu.memory_space<vmem>>[vector<16xi32>], vector<16xf32>,
        %parallel_loop3A_697 = arith.constant 768 : i32
        %parallel_loop3A_698 = arith.addi %parallel_loop3A_640, %parallel_loop3A_697 : i32
        %parallel_loop3A_699 = arith.constant 0 : i32
        %parallel_loop3A_700 = tpu.memref_slice %arg7[%parallel_loop3A_311, %parallel_loop3A_699] : memref<2x8192xf32, #tpu.memory_space<vmem>> -> memref<1x8192xf32, #tpu.memory_space<vmem>>
        %parallel_loop3A_701 = tpu.memref_squeeze %parallel_loop3A_700 : memref<1x8192xf32, #tpu.memory_space<vmem>> -> memref<8192xf32, #tpu.memory_space<vmem>>
        %parallel_loop3A_702 = arith.index_cast %parallel_loop3A_698 : i32 to index
        %parallel_loop3A_703 = tpu.vector_load %parallel_loop3A_701[%parallel_loop3A_702] {strides = array<i32>} : memref<8192xf32, #tpu.memory_space<vmem>>, vector<16xf32>,
        tpu.vector_store %parallel_loop3A_701[%parallel_loop3A_702], %parallel_loop3A_696 {strides = array<i32>} : memref<8192xf32, #tpu.memory_space<vmem>>, vector<16xf32>,
        %parallel_loop3A_704 = arith.addi %broadcast_in_dim3A_307, %parallel_loop3A_595 : vector<16xi32>
        %parallel_loop3A_705 = tpu.vector_load_idx %arg6[%parallel_loop3A_704] : memref<4096xf32, #tpu.memory_space<vmem>>[vector<16xi32>], vector<16xf32>,
        %parallel_loop3A_706 = arith.constant 896 : i32
        %parallel_loop3A_707 = arith.addi %parallel_loop3A_640, %parallel_loop3A_706 : i32
        %parallel_loop3A_708 = arith.constant 0 : i32
        %parallel_loop3A_709 = tpu.memref_slice %arg7[%parallel_loop3A_311, %parallel_loop3A_708] : memref<2x8192xf32, #tpu.memory_space<vmem>> -> memref<1x8192xf32, #tpu.memory_space<vmem>>
        %parallel_loop3A_710 = tpu.memref_squeeze %parallel_loop3A_709 : memref<1x8192xf32, #tpu.memory_space<vmem>> -> memref<8192xf32, #tpu.memory_space<vmem>>
        %parallel_loop3A_711 = arith.index_cast %parallel_loop3A_707 : i32 to index
        %parallel_loop3A_712 = tpu.vector_load %parallel_loop3A_710[%parallel_loop3A_711] {strides = array<i32>} : memref<8192xf32, #tpu.memory_space<vmem>>, vector<16xf32>,
        tpu.vector_store %parallel_loop3A_710[%parallel_loop3A_711], %parallel_loop3A_705 {strides = array<i32>} : memref<8192xf32, #tpu.memory_space<vmem>>, vector<16xf32>,
      } {sc.loop_unroll_factor = 2 : i64, sc.parallel_access}
      %jit3A_312 = arith.constant 4 : i32
      %div3A_313 = arith.divsi %add3A_236, %jit3A_312 : i32
      %sign3A_314 = arith.constant 0 : i32
      %sign3A_315 = arith.cmpi sgt, %add3A_236, %sign3A_314 : i32
      %sign3A_316 = arith.extui %sign3A_315 : i1 to i32
      %sign3A_317 = arith.constant 0 : i32
      %sign3A_318 = arith.cmpi slt, %add3A_236, %sign3A_317 : i32
      %sign3A_319 = arith.extui %sign3A_318 : i1 to i32
      %sign3A_320 = arith.subi %sign3A_316, %sign3A_319 : i32
      %sign3A_321 = arith.constant 0 : i32
      %sign3A_322 = arith.cmpi sgt, %jit3A_312, %sign3A_321 : i32
      %sign3A_323 = arith.extui %sign3A_322 : i1 to i32
      %sign3A_324 = arith.constant 0 : i32
      %sign3A_325 = arith.cmpi slt, %jit3A_312, %sign3A_324 : i32
      %sign3A_326 = arith.extui %sign3A_325 : i1 to i32
      %sign3A_327 = arith.subi %sign3A_323, %sign3A_326 : i32
      %ne3A_328 = arith.cmpi ne, %sign3A_320, %sign3A_327 : i32
      %rem3A_329 = arith.remsi %add3A_236, %jit3A_312 : i32
      %ne3A_330 = arith.constant 0 : i32
      %ne3A_331 = arith.cmpi ne, %rem3A_329, %ne3A_330 : i32
      %and3A_332 = arith.andi %ne3A_328, %ne3A_331 : i1
      %sub3A_333 = arith.constant 1 : i32
      %sub3A_334 = arith.subi %div3A_313, %sub3A_333 : i32
      %select_n3A_335 = arith.select %and3A_332, %sub3A_334, %div3A_313 : i32
      %jit3A_336 = arith.constant 50 : i32
      %eq3A_337 = arith.constant 0 : i32
      %eq3A_338 = arith.cmpi eq, %jit3A_336, %eq3A_337 : i32
      %jit3A_339 = arith.constant 1 : i32
      %select_n3A_340 = arith.select %eq3A_338, %jit3A_339, %jit3A_336 : i32
      %rem3A_341 = arith.remsi %select_n3A_335, %select_n3A_340 : i32
      %ne3A_342 = arith.constant 0 : i32
      %ne3A_343 = arith.cmpi ne, %rem3A_341, %ne3A_342 : i32
      %lt3A_344 = arith.constant 0 : i32
      %lt3A_345 = arith.cmpi slt, %rem3A_341, %lt3A_344 : i32
      %lt3A_346 = arith.constant 0 : i32
      %lt3A_347 = arith.cmpi slt, %select_n3A_340, %lt3A_346 : i32
      %ne3A_348 = arith.xori %lt3A_345, %lt3A_347 : i1
      %and3A_349 = arith.andi %ne3A_348, %ne3A_343 : i1
      %add3A_350 = arith.addi %rem3A_341, %select_n3A_340 : i32
      %select_n3A_351 = arith.select %and3A_349, %add3A_350, %rem3A_341 : i32
      %mul3A_352 = arith.constant 20 : i32
      %mul3A_353 = arith.muli %select_n3A_351, %mul3A_352 : i32
      %jit3A_354 = arith.constant 50 : i32
      %div3A_355 = arith.divsi %select_n3A_335, %jit3A_354 : i32
      %sign3A_356 = arith.constant 0 : i32
      %sign3A_357 = arith.cmpi sgt, %select_n3A_335, %sign3A_356 : i32
      %sign3A_358 = arith.extui %sign3A_357 : i1 to i32
      %sign3A_359 = arith.constant 0 : i32
      %sign3A_360 = arith.cmpi slt, %select_n3A_335, %sign3A_359 : i32
      %sign3A_361 = arith.extui %sign3A_360 : i1 to i32
      %sign3A_362 = arith.subi %sign3A_358, %sign3A_361 : i32
      %sign3A_363 = arith.constant 0 : i32
      %sign3A_364 = arith.cmpi sgt, %jit3A_354, %sign3A_363 : i32
      %sign3A_365 = arith.extui %sign3A_364 : i1 to i32
      %sign3A_366 = arith.constant 0 : i32
      %sign3A_367 = arith.cmpi slt, %jit3A_354, %sign3A_366 : i32
      %sign3A_368 = arith.extui %sign3A_367 : i1 to i32
      %sign3A_369 = arith.subi %sign3A_365, %sign3A_368 : i32
      %ne3A_370 = arith.cmpi ne, %sign3A_362, %sign3A_369 : i32
      %rem3A_371 = arith.remsi %select_n3A_335, %jit3A_354 : i32
      %ne3A_372 = arith.constant 0 : i32
      %ne3A_373 = arith.cmpi ne, %rem3A_371, %ne3A_372 : i32
      %and3A_374 = arith.andi %ne3A_370, %ne3A_373 : i1
      %sub3A_375 = arith.constant 1 : i32
      %sub3A_376 = arith.subi %div3A_355, %sub3A_375 : i32
      %select_n3A_377 = arith.select %and3A_374, %sub3A_376, %div3A_355 : i32
      %add3A_378 = arith.addi %mul3A_353, %select_n3A_377 : i32
      %mul3A_379 = arith.constant 4 : i32
      %mul3A_380 = arith.muli %add3A_378, %mul3A_379 : i32
      %jit3A_381 = arith.constant 4 : i32
      %eq3A_382 = arith.constant 0 : i32
      %eq3A_383 = arith.cmpi eq, %jit3A_381, %eq3A_382 : i32
      %jit3A_384 = arith.constant 1 : i32
      %select_n3A_385 = arith.select %eq3A_383, %jit3A_384, %jit3A_381 : i32
      %rem3A_386 = arith.remsi %add3A_236, %select_n3A_385 : i32
      %ne3A_387 = arith.constant 0 : i32
      %ne3A_388 = arith.cmpi ne, %rem3A_386, %ne3A_387 : i32
      %lt3A_389 = arith.constant 0 : i32
      %lt3A_390 = arith.cmpi slt, %rem3A_386, %lt3A_389 : i32
      %lt3A_391 = arith.constant 0 : i32
      %lt3A_392 = arith.cmpi slt, %select_n3A_385, %lt3A_391 : i32
      %ne3A_393 = arith.xori %lt3A_390, %lt3A_392 : i1
      %and3A_394 = arith.andi %ne3A_393, %ne3A_388 : i1
      %add3A_395 = arith.addi %rem3A_386, %select_n3A_385 : i32
      %select_n3A_396 = arith.select %and3A_394, %add3A_395, %rem3A_386 : i32
      %add3A_397 = arith.addi %mul3A_380, %select_n3A_396 : i32
      %mul3A_398 = arith.constant 8192 : i32
      %mul3A_399 = arith.muli %add3A_397, %mul3A_398 : i32
      %dma_start3A_400 = arith.constant 0 : i32
      %dma_start3A_401 = arith.constant 0 : i32
      %dma_start3A_402 = tpu.memref_slice %arg7[%dma_start3A_400, %dma_start3A_401] : memref<2x8192xf32, #tpu.memory_space<vmem>> -> memref<1x8192xf32, #tpu.memory_space<vmem>>
      %dma_start3A_403 = tpu.memref_squeeze %dma_start3A_402 : memref<1x8192xf32, #tpu.memory_space<vmem>> -> memref<8192xf32, #tpu.memory_space<vmem>>
      %dma_start3A_404 = tpu.memref_slice %arg4[%mul3A_399] : memref<32768000xf32, #tpu.memory_space<hbm>> -> memref<8192xf32, #tpu.memory_space<hbm>>
      %dma_start3A_405 = tpu.memref_slice %arg4[%mul3A_399] : memref<32768000xf32, #tpu.memory_space<hbm>> -> memref<8192xf32, #tpu.memory_space<hbm>>
      %dma_start3A_406 = arith.constant 0 : i32
      %dma_start3A_407 = tpu.memref_slice %arg7[%dma_start3A_400, %dma_start3A_406] : memref<2x8192xf32, #tpu.memory_space<vmem>> -> memref<1x8192xf32, #tpu.memory_space<vmem>>
      %dma_start3A_408 = tpu.memref_squeeze %dma_start3A_407 : memref<1x8192xf32, #tpu.memory_space<vmem>> -> memref<8192xf32, #tpu.memory_space<vmem>>
      tpu.enqueue_dma source(%dma_start3A_408 : memref<8192xf32, #tpu.memory_space<vmem>>) target(%dma_start3A_405 : memref<8192xf32, #tpu.memory_space<hbm>>) target_semaphore(%arg8 : memref<!tpu.dma_semaphore, #tpu.memory_space<semaphore_mem>>)
      %gt3A_409 = arith.constant 0 : i32
      %gt3A_410 = arith.cmpi sgt, %scan3A_233, %gt3A_409 : i32
      %convert_element_type3A_411 = arith.extui %gt3A_410 : i1 to i32
      %cond3A_412 = arith.constant 0 : i32
      %cond3A_413 = arith.cmpi ne, %convert_element_type3A_411, %cond3A_412 : i32
      scf.if %cond3A_413 {
        %dma_wait3A_588 = arith.constant 0 : i32
        %dma_wait3A_589 = arith.constant 0 : i32
        %dma_wait3A_590 = tpu.memref_slice %arg7[%dma_wait3A_588, %dma_wait3A_589] : memref<2x8192xf32, #tpu.memory_space<vmem>> -> memref<1x8192xf32, #tpu.memory_space<vmem>>
        %dma_wait3A_591 = tpu.memref_squeeze %dma_wait3A_590 : memref<1x8192xf32, #tpu.memory_space<vmem>> -> memref<8192xf32, #tpu.memory_space<vmem>>
        %dma_wait3A_592 = arith.constant 0 : i32
        %dma_wait3A_593 = tpu.memref_slice %arg4[%dma_wait3A_592] : memref<32768000xf32, #tpu.memory_space<hbm>> -> memref<8192xf32, #tpu.memory_space<hbm>>
        %dma_wait3A_594 = arith.constant 0 : i32
        %dma_wait3A_595 = tpu.memref_slice %arg7[%dma_wait3A_588, %dma_wait3A_594] : memref<2x8192xf32, #tpu.memory_space<vmem>> -> memref<1x8192xf32, #tpu.memory_space<vmem>>
        %dma_wait3A_596 = tpu.memref_squeeze %dma_wait3A_595 : memref<1x8192xf32, #tpu.memory_space<vmem>> -> memref<8192xf32, #tpu.memory_space<vmem>>
        %dma_wait3A_597 = arith.constant 0 : i32
        %dma_wait3A_598 = tpu.memref_slice %arg4[%dma_wait3A_597] : memref<32768000xf32, #tpu.memory_space<hbm>> -> memref<8192xf32, #tpu.memory_space<hbm>>
        tpu.wait_dma2 semaphore(%arg9 : memref<!tpu.dma_semaphore, #tpu.memory_space<semaphore_mem>>) src(%dma_wait3A_598 : memref<8192xf32, #tpu.memory_space<hbm>>) dst(%dma_wait3A_596 : memref<8192xf32, #tpu.memory_space<vmem>>)
      } else {
      }
      %add3A_414 = arith.constant 1 : i32
      %add3A_415 = arith.addi %add3A_236, %add3A_414 : i32
      %jit3A_416 = arith.constant 4 : i32
      %div3A_417 = arith.divsi %add3A_415, %jit3A_416 : i32
      %sign3A_418 = arith.constant 0 : i32
      %sign3A_419 = arith.cmpi sgt, %add3A_415, %sign3A_418 : i32
      %sign3A_420 = arith.extui %sign3A_419 : i1 to i32
      %sign3A_421 = arith.constant 0 : i32
      %sign3A_422 = arith.cmpi slt, %add3A_415, %sign3A_421 : i32
      %sign3A_423 = arith.extui %sign3A_422 : i1 to i32
      %sign3A_424 = arith.subi %sign3A_420, %sign3A_423 : i32
      %sign3A_425 = arith.constant 0 : i32
      %sign3A_426 = arith.cmpi sgt, %jit3A_416, %sign3A_425 : i32
      %sign3A_427 = arith.extui %sign3A_426 : i1 to i32
      %sign3A_428 = arith.constant 0 : i32
      %sign3A_429 = arith.cmpi slt, %jit3A_416, %sign3A_428 : i32
      %sign3A_430 = arith.extui %sign3A_429 : i1 to i32
      %sign3A_431 = arith.subi %sign3A_427, %sign3A_430 : i32
      %ne3A_432 = arith.cmpi ne, %sign3A_424, %sign3A_431 : i32
      %rem3A_433 = arith.remsi %add3A_415, %jit3A_416 : i32
      %ne3A_434 = arith.constant 0 : i32
      %ne3A_435 = arith.cmpi ne, %rem3A_433, %ne3A_434 : i32
      %and3A_436 = arith.andi %ne3A_432, %ne3A_435 : i1
      %sub3A_437 = arith.constant 1 : i32
      %sub3A_438 = arith.subi %div3A_417, %sub3A_437 : i32
      %select_n3A_439 = arith.select %and3A_436, %sub3A_438, %div3A_417 : i32
      %jit3A_440 = arith.constant 4 : i32
      %eq3A_441 = arith.constant 0 : i32
      %eq3A_442 = arith.cmpi eq, %jit3A_440, %eq3A_441 : i32
      %jit3A_443 = arith.constant 1 : i32
      %select_n3A_444 = arith.select %eq3A_442, %jit3A_443, %jit3A_440 : i32
      %rem3A_445 = arith.remsi %add3A_415, %select_n3A_444 : i32
      %ne3A_446 = arith.constant 0 : i32
      %ne3A_447 = arith.cmpi ne, %rem3A_445, %ne3A_446 : i32
      %lt3A_448 = arith.constant 0 : i32
      %lt3A_449 = arith.cmpi slt, %rem3A_445, %lt3A_448 : i32
      %lt3A_450 = arith.constant 0 : i32
      %lt3A_451 = arith.cmpi slt, %select_n3A_444, %lt3A_450 : i32
      %ne3A_452 = arith.xori %lt3A_449, %lt3A_451 : i1
      %and3A_453 = arith.andi %ne3A_452, %ne3A_447 : i1
      %add3A_454 = arith.addi %rem3A_445, %select_n3A_444 : i32
      %select_n3A_455 = arith.select %and3A_453, %add3A_454, %rem3A_445 : i32
      %mul3A_456 = arith.constant 8 : i32
      %mul3A_457 = arith.muli %select_n3A_455, %mul3A_456 : i32
      %mul3A_458 = arith.constant 128 : i32
      %mul3A_459 = arith.muli %mul3A_457, %mul3A_458 : i32
      %sub3A_460 = arith.subi %select_n3A_439, %select_n3A : i32
      %add3A_461 = arith.constant 0 : i32
      %add3A_462 = arith.addi %mul3A_459, %add3A_461 : i32
      %broadcast_in_dim3A_463 = vector.broadcast %add3A_462 : i32 to vector<16xi32>
      %add3A_464 = arith.constant 128 : i32
      %add3A_465 = arith.addi %mul3A_459, %add3A_464 : i32
      %broadcast_in_dim3A_466 = vector.broadcast %add3A_465 : i32 to vector<16xi32>
      %add3A_467 = arith.constant 256 : i32
      %add3A_468 = arith.addi %mul3A_459, %add3A_467 : i32
      %broadcast_in_dim3A_469 = vector.broadcast %add3A_468 : i32 to vector<16xi32>
      %add3A_470 = arith.constant 384 : i32
      %add3A_471 = arith.addi %mul3A_459, %add3A_470 : i32
      %broadcast_in_dim3A_472 = vector.broadcast %add3A_471 : i32 to vector<16xi32>
      %add3A_473 = arith.constant 512 : i32
      %add3A_474 = arith.addi %mul3A_459, %add3A_473 : i32
      %broadcast_in_dim3A_475 = vector.broadcast %add3A_474 : i32 to vector<16xi32>
      %add3A_476 = arith.constant 640 : i32
      %add3A_477 = arith.addi %mul3A_459, %add3A_476 : i32
      %broadcast_in_dim3A_478 = vector.broadcast %add3A_477 : i32 to vector<16xi32>
      %add3A_479 = arith.constant 768 : i32
      %add3A_480 = arith.addi %mul3A_459, %add3A_479 : i32
      %broadcast_in_dim3A_481 = vector.broadcast %add3A_480 : i32 to vector<16xi32>
      %add3A_482 = arith.constant 896 : i32
      %add3A_483 = arith.addi %mul3A_459, %add3A_482 : i32
      %broadcast_in_dim3A_484 = vector.broadcast %add3A_483 : i32 to vector<16xi32>
      %parallel_loop3A_485 = arith.constant 0 : i32
      %parallel_loop3A_486 = arith.constant 64 : i32
      %parallel_loop3A_487 = arith.constant 1 : i32
      %parallel_loop3A_488 = arith.constant 1 : i32
      scf.for %parallel_loop3A_588 = %parallel_loop3A_485 to %parallel_loop3A_486 step %parallel_loop3A_487  : i32 {
        %parallel_loop3A_589 = arith.constant 1024 : i32
        %parallel_loop3A_590 = arith.muli %sub3A_460, %parallel_loop3A_589 : i32
        %parallel_loop3A_591 = arith.constant 16 : i32
        %parallel_loop3A_592 = arith.muli %parallel_loop3A_588, %parallel_loop3A_591 : i32
        %parallel_loop3A_593 = arith.addi %parallel_loop3A_590, %parallel_loop3A_592 : i32
        %parallel_loop3A_594 = arith.index_cast %parallel_loop3A_593 : i32 to index
        %parallel_loop3A_595 = tpu.vector_load %arg5[%parallel_loop3A_594] {strides = array<i32>} : memref<32768xi32, #tpu.memory_space<vmem>>, vector<16xi32>,
        %parallel_loop3A_596 = arith.constant 8 : i32
        %parallel_loop3A_597 = arith.divsi %parallel_loop3A_588, %parallel_loop3A_596 : i32
        %parallel_loop3A_598 = arith.constant 0 : i32
        %parallel_loop3A_599 = arith.cmpi sgt, %parallel_loop3A_588, %parallel_loop3A_598 : i32
        %parallel_loop3A_600 = arith.extui %parallel_loop3A_599 : i1 to i32
        %parallel_loop3A_601 = arith.constant 0 : i32
        %parallel_loop3A_602 = arith.cmpi slt, %parallel_loop3A_588, %parallel_loop3A_601 : i32
        %parallel_loop3A_603 = arith.extui %parallel_loop3A_602 : i1 to i32
        %parallel_loop3A_604 = arith.subi %parallel_loop3A_600, %parallel_loop3A_603 : i32
        %parallel_loop3A_605 = arith.constant 0 : i32
        %parallel_loop3A_606 = arith.cmpi sgt, %parallel_loop3A_596, %parallel_loop3A_605 : i32
        %parallel_loop3A_607 = arith.extui %parallel_loop3A_606 : i1 to i32
        %parallel_loop3A_608 = arith.constant 0 : i32
        %parallel_loop3A_609 = arith.cmpi slt, %parallel_loop3A_596, %parallel_loop3A_608 : i32
        %parallel_loop3A_610 = arith.extui %parallel_loop3A_609 : i1 to i32
        %parallel_loop3A_611 = arith.subi %parallel_loop3A_607, %parallel_loop3A_610 : i32
        %parallel_loop3A_612 = arith.cmpi ne, %parallel_loop3A_604, %parallel_loop3A_611 : i32
        %parallel_loop3A_613 = arith.remsi %parallel_loop3A_588, %parallel_loop3A_596 : i32
        %parallel_loop3A_614 = arith.constant 0 : i32
        %parallel_loop3A_615 = arith.cmpi ne, %parallel_loop3A_613, %parallel_loop3A_614 : i32
        %parallel_loop3A_616 = arith.andi %parallel_loop3A_612, %parallel_loop3A_615 : i1
        %parallel_loop3A_617 = arith.constant 1 : i32
        %parallel_loop3A_618 = arith.subi %parallel_loop3A_597, %parallel_loop3A_617 : i32
        %parallel_loop3A_619 = arith.select %parallel_loop3A_616, %parallel_loop3A_618, %parallel_loop3A_597 : i32
        %parallel_loop3A_620 = arith.constant 1024 : i32
        %parallel_loop3A_621 = arith.muli %parallel_loop3A_619, %parallel_loop3A_620 : i32
        %parallel_loop3A_622 = arith.constant 8 : i32
        %parallel_loop3A_623 = arith.constant 0 : i32
        %parallel_loop3A_624 = arith.cmpi eq, %parallel_loop3A_622, %parallel_loop3A_623 : i32
        %parallel_loop3A_625 = arith.constant 1 : i32
        %parallel_loop3A_626 = arith.select %parallel_loop3A_624, %parallel_loop3A_625, %parallel_loop3A_622 : i32
        %parallel_loop3A_627 = arith.remsi %parallel_loop3A_588, %parallel_loop3A_626 : i32
        %parallel_loop3A_628 = arith.constant 0 : i32
        %parallel_loop3A_629 = arith.cmpi ne, %parallel_loop3A_627, %parallel_loop3A_628 : i32
        %parallel_loop3A_630 = arith.constant 0 : i32
        %parallel_loop3A_631 = arith.cmpi slt, %parallel_loop3A_627, %parallel_loop3A_630 : i32
        %parallel_loop3A_632 = arith.constant 0 : i32
        %parallel_loop3A_633 = arith.cmpi slt, %parallel_loop3A_626, %parallel_loop3A_632 : i32
        %parallel_loop3A_634 = arith.xori %parallel_loop3A_631, %parallel_loop3A_633 : i1
        %parallel_loop3A_635 = arith.andi %parallel_loop3A_634, %parallel_loop3A_629 : i1
        %parallel_loop3A_636 = arith.addi %parallel_loop3A_627, %parallel_loop3A_626 : i32
        %parallel_loop3A_637 = arith.select %parallel_loop3A_635, %parallel_loop3A_636, %parallel_loop3A_627 : i32
        %parallel_loop3A_638 = arith.constant 16 : i32
        %parallel_loop3A_639 = arith.muli %parallel_loop3A_637, %parallel_loop3A_638 : i32
        %parallel_loop3A_640 = arith.addi %parallel_loop3A_621, %parallel_loop3A_639 : i32
        %parallel_loop3A_641 = arith.addi %broadcast_in_dim3A_463, %parallel_loop3A_595 : vector<16xi32>
        %parallel_loop3A_642 = tpu.vector_load_idx %arg6[%parallel_loop3A_641] : memref<4096xf32, #tpu.memory_space<vmem>>[vector<16xi32>], vector<16xf32>,
        %parallel_loop3A_643 = arith.constant 0 : i32
        %parallel_loop3A_644 = arith.addi %parallel_loop3A_640, %parallel_loop3A_643 : i32
        %parallel_loop3A_645 = arith.constant 0 : i32
        %parallel_loop3A_646 = tpu.memref_slice %arg7[%parallel_loop3A_488, %parallel_loop3A_645] : memref<2x8192xf32, #tpu.memory_space<vmem>> -> memref<1x8192xf32, #tpu.memory_space<vmem>>
        %parallel_loop3A_647 = tpu.memref_squeeze %parallel_loop3A_646 : memref<1x8192xf32, #tpu.memory_space<vmem>> -> memref<8192xf32, #tpu.memory_space<vmem>>
        %parallel_loop3A_648 = arith.index_cast %parallel_loop3A_644 : i32 to index
        %parallel_loop3A_649 = tpu.vector_load %parallel_loop3A_647[%parallel_loop3A_648] {strides = array<i32>} : memref<8192xf32, #tpu.memory_space<vmem>>, vector<16xf32>,
        tpu.vector_store %parallel_loop3A_647[%parallel_loop3A_648], %parallel_loop3A_642 {strides = array<i32>} : memref<8192xf32, #tpu.memory_space<vmem>>, vector<16xf32>,
        %parallel_loop3A_650 = arith.addi %broadcast_in_dim3A_466, %parallel_loop3A_595 : vector<16xi32>
        %parallel_loop3A_651 = tpu.vector_load_idx %arg6[%parallel_loop3A_650] : memref<4096xf32, #tpu.memory_space<vmem>>[vector<16xi32>], vector<16xf32>,
        %parallel_loop3A_652 = arith.constant 128 : i32
        %parallel_loop3A_653 = arith.addi %parallel_loop3A_640, %parallel_loop3A_652 : i32
        %parallel_loop3A_654 = arith.constant 0 : i32
        %parallel_loop3A_655 = tpu.memref_slice %arg7[%parallel_loop3A_488, %parallel_loop3A_654] : memref<2x8192xf32, #tpu.memory_space<vmem>> -> memref<1x8192xf32, #tpu.memory_space<vmem>>
        %parallel_loop3A_656 = tpu.memref_squeeze %parallel_loop3A_655 : memref<1x8192xf32, #tpu.memory_space<vmem>> -> memref<8192xf32, #tpu.memory_space<vmem>>
        %parallel_loop3A_657 = arith.index_cast %parallel_loop3A_653 : i32 to index
        %parallel_loop3A_658 = tpu.vector_load %parallel_loop3A_656[%parallel_loop3A_657] {strides = array<i32>} : memref<8192xf32, #tpu.memory_space<vmem>>, vector<16xf32>,
        tpu.vector_store %parallel_loop3A_656[%parallel_loop3A_657], %parallel_loop3A_651 {strides = array<i32>} : memref<8192xf32, #tpu.memory_space<vmem>>, vector<16xf32>,
        %parallel_loop3A_659 = arith.addi %broadcast_in_dim3A_469, %parallel_loop3A_595 : vector<16xi32>
        %parallel_loop3A_660 = tpu.vector_load_idx %arg6[%parallel_loop3A_659] : memref<4096xf32, #tpu.memory_space<vmem>>[vector<16xi32>], vector<16xf32>,
        %parallel_loop3A_661 = arith.constant 256 : i32
        %parallel_loop3A_662 = arith.addi %parallel_loop3A_640, %parallel_loop3A_661 : i32
        %parallel_loop3A_663 = arith.constant 0 : i32
        %parallel_loop3A_664 = tpu.memref_slice %arg7[%parallel_loop3A_488, %parallel_loop3A_663] : memref<2x8192xf32, #tpu.memory_space<vmem>> -> memref<1x8192xf32, #tpu.memory_space<vmem>>
        %parallel_loop3A_665 = tpu.memref_squeeze %parallel_loop3A_664 : memref<1x8192xf32, #tpu.memory_space<vmem>> -> memref<8192xf32, #tpu.memory_space<vmem>>
        %parallel_loop3A_666 = arith.index_cast %parallel_loop3A_662 : i32 to index
        %parallel_loop3A_667 = tpu.vector_load %parallel_loop3A_665[%parallel_loop3A_666] {strides = array<i32>} : memref<8192xf32, #tpu.memory_space<vmem>>, vector<16xf32>,
        tpu.vector_store %parallel_loop3A_665[%parallel_loop3A_666], %parallel_loop3A_660 {strides = array<i32>} : memref<8192xf32, #tpu.memory_space<vmem>>, vector<16xf32>,
        %parallel_loop3A_668 = arith.addi %broadcast_in_dim3A_472, %parallel_loop3A_595 : vector<16xi32>
        %parallel_loop3A_669 = tpu.vector_load_idx %arg6[%parallel_loop3A_668] : memref<4096xf32, #tpu.memory_space<vmem>>[vector<16xi32>], vector<16xf32>,
        %parallel_loop3A_670 = arith.constant 384 : i32
        %parallel_loop3A_671 = arith.addi %parallel_loop3A_640, %parallel_loop3A_670 : i32
        %parallel_loop3A_672 = arith.constant 0 : i32
        %parallel_loop3A_673 = tpu.memref_slice %arg7[%parallel_loop3A_488, %parallel_loop3A_672] : memref<2x8192xf32, #tpu.memory_space<vmem>> -> memref<1x8192xf32, #tpu.memory_space<vmem>>
        %parallel_loop3A_674 = tpu.memref_squeeze %parallel_loop3A_673 : memref<1x8192xf32, #tpu.memory_space<vmem>> -> memref<8192xf32, #tpu.memory_space<vmem>>
        %parallel_loop3A_675 = arith.index_cast %parallel_loop3A_671 : i32 to index
        %parallel_loop3A_676 = tpu.vector_load %parallel_loop3A_674[%parallel_loop3A_675] {strides = array<i32>} : memref<8192xf32, #tpu.memory_space<vmem>>, vector<16xf32>,
        tpu.vector_store %parallel_loop3A_674[%parallel_loop3A_675], %parallel_loop3A_669 {strides = array<i32>} : memref<8192xf32, #tpu.memory_space<vmem>>, vector<16xf32>,
        %parallel_loop3A_677 = arith.addi %broadcast_in_dim3A_475, %parallel_loop3A_595 : vector<16xi32>
        %parallel_loop3A_678 = tpu.vector_load_idx %arg6[%parallel_loop3A_677] : memref<4096xf32, #tpu.memory_space<vmem>>[vector<16xi32>], vector<16xf32>,
        %parallel_loop3A_679 = arith.constant 512 : i32
        %parallel_loop3A_680 = arith.addi %parallel_loop3A_640, %parallel_loop3A_679 : i32
        %parallel_loop3A_681 = arith.constant 0 : i32
        %parallel_loop3A_682 = tpu.memref_slice %arg7[%parallel_loop3A_488, %parallel_loop3A_681] : memref<2x8192xf32, #tpu.memory_space<vmem>> -> memref<1x8192xf32, #tpu.memory_space<vmem>>
        %parallel_loop3A_683 = tpu.memref_squeeze %parallel_loop3A_682 : memref<1x8192xf32, #tpu.memory_space<vmem>> -> memref<8192xf32, #tpu.memory_space<vmem>>
        %parallel_loop3A_684 = arith.index_cast %parallel_loop3A_680 : i32 to index
        %parallel_loop3A_685 = tpu.vector_load %parallel_loop3A_683[%parallel_loop3A_684] {strides = array<i32>} : memref<8192xf32, #tpu.memory_space<vmem>>, vector<16xf32>,
        tpu.vector_store %parallel_loop3A_683[%parallel_loop3A_684], %parallel_loop3A_678 {strides = array<i32>} : memref<8192xf32, #tpu.memory_space<vmem>>, vector<16xf32>,
        %parallel_loop3A_686 = arith.addi %broadcast_in_dim3A_478, %parallel_loop3A_595 : vector<16xi32>
        %parallel_loop3A_687 = tpu.vector_load_idx %arg6[%parallel_loop3A_686] : memref<4096xf32, #tpu.memory_space<vmem>>[vector<16xi32>], vector<16xf32>,
        %parallel_loop3A_688 = arith.constant 640 : i32
        %parallel_loop3A_689 = arith.addi %parallel_loop3A_640, %parallel_loop3A_688 : i32
        %parallel_loop3A_690 = arith.constant 0 : i32
        %parallel_loop3A_691 = tpu.memref_slice %arg7[%parallel_loop3A_488, %parallel_loop3A_690] : memref<2x8192xf32, #tpu.memory_space<vmem>> -> memref<1x8192xf32, #tpu.memory_space<vmem>>
        %parallel_loop3A_692 = tpu.memref_squeeze %parallel_loop3A_691 : memref<1x8192xf32, #tpu.memory_space<vmem>> -> memref<8192xf32, #tpu.memory_space<vmem>>
        %parallel_loop3A_693 = arith.index_cast %parallel_loop3A_689 : i32 to index
        %parallel_loop3A_694 = tpu.vector_load %parallel_loop3A_692[%parallel_loop3A_693] {strides = array<i32>} : memref<8192xf32, #tpu.memory_space<vmem>>, vector<16xf32>,
        tpu.vector_store %parallel_loop3A_692[%parallel_loop3A_693], %parallel_loop3A_687 {strides = array<i32>} : memref<8192xf32, #tpu.memory_space<vmem>>, vector<16xf32>,
        %parallel_loop3A_695 = arith.addi %broadcast_in_dim3A_481, %parallel_loop3A_595 : vector<16xi32>
        %parallel_loop3A_696 = tpu.vector_load_idx %arg6[%parallel_loop3A_695] : memref<4096xf32, #tpu.memory_space<vmem>>[vector<16xi32>], vector<16xf32>,
        %parallel_loop3A_697 = arith.constant 768 : i32
        %parallel_loop3A_698 = arith.addi %parallel_loop3A_640, %parallel_loop3A_697 : i32
        %parallel_loop3A_699 = arith.constant 0 : i32
        %parallel_loop3A_700 = tpu.memref_slice %arg7[%parallel_loop3A_488, %parallel_loop3A_699] : memref<2x8192xf32, #tpu.memory_space<vmem>> -> memref<1x8192xf32, #tpu.memory_space<vmem>>
        %parallel_loop3A_701 = tpu.memref_squeeze %parallel_loop3A_700 : memref<1x8192xf32, #tpu.memory_space<vmem>> -> memref<8192xf32, #tpu.memory_space<vmem>>
        %parallel_loop3A_702 = arith.index_cast %parallel_loop3A_698 : i32 to index
        %parallel_loop3A_703 = tpu.vector_load %parallel_loop3A_701[%parallel_loop3A_702] {strides = array<i32>} : memref<8192xf32, #tpu.memory_space<vmem>>, vector<16xf32>,
        tpu.vector_store %parallel_loop3A_701[%parallel_loop3A_702], %parallel_loop3A_696 {strides = array<i32>} : memref<8192xf32, #tpu.memory_space<vmem>>, vector<16xf32>,
        %parallel_loop3A_704 = arith.addi %broadcast_in_dim3A_484, %parallel_loop3A_595 : vector<16xi32>
        %parallel_loop3A_705 = tpu.vector_load_idx %arg6[%parallel_loop3A_704] : memref<4096xf32, #tpu.memory_space<vmem>>[vector<16xi32>], vector<16xf32>,
        %parallel_loop3A_706 = arith.constant 896 : i32
        %parallel_loop3A_707 = arith.addi %parallel_loop3A_640, %parallel_loop3A_706 : i32
        %parallel_loop3A_708 = arith.constant 0 : i32
        %parallel_loop3A_709 = tpu.memref_slice %arg7[%parallel_loop3A_488, %parallel_loop3A_708] : memref<2x8192xf32, #tpu.memory_space<vmem>> -> memref<1x8192xf32, #tpu.memory_space<vmem>>
        %parallel_loop3A_710 = tpu.memref_squeeze %parallel_loop3A_709 : memref<1x8192xf32, #tpu.memory_space<vmem>> -> memref<8192xf32, #tpu.memory_space<vmem>>
        %parallel_loop3A_711 = arith.index_cast %parallel_loop3A_707 : i32 to index
        %parallel_loop3A_712 = tpu.vector_load %parallel_loop3A_710[%parallel_loop3A_711] {strides = array<i32>} : memref<8192xf32, #tpu.memory_space<vmem>>, vector<16xf32>,
        tpu.vector_store %parallel_loop3A_710[%parallel_loop3A_711], %parallel_loop3A_705 {strides = array<i32>} : memref<8192xf32, #tpu.memory_space<vmem>>, vector<16xf32>,
      } {sc.loop_unroll_factor = 2 : i64, sc.parallel_access}
      %add3A_489 = arith.constant 1 : i32
      %add3A_490 = arith.addi %add3A_236, %add3A_489 : i32
      %jit3A_491 = arith.constant 4 : i32
      %div3A_492 = arith.divsi %add3A_490, %jit3A_491 : i32
      %sign3A_493 = arith.constant 0 : i32
      %sign3A_494 = arith.cmpi sgt, %add3A_490, %sign3A_493 : i32
      %sign3A_495 = arith.extui %sign3A_494 : i1 to i32
      %sign3A_496 = arith.constant 0 : i32
      %sign3A_497 = arith.cmpi slt, %add3A_490, %sign3A_496 : i32
      %sign3A_498 = arith.extui %sign3A_497 : i1 to i32
      %sign3A_499 = arith.subi %sign3A_495, %sign3A_498 : i32
      %sign3A_500 = arith.constant 0 : i32
      %sign3A_501 = arith.cmpi sgt, %jit3A_491, %sign3A_500 : i32
      %sign3A_502 = arith.extui %sign3A_501 : i1 to i32
      %sign3A_503 = arith.constant 0 : i32
      %sign3A_504 = arith.cmpi slt, %jit3A_491, %sign3A_503 : i32
      %sign3A_505 = arith.extui %sign3A_504 : i1 to i32
      %sign3A_506 = arith.subi %sign3A_502, %sign3A_505 : i32
      %ne3A_507 = arith.cmpi ne, %sign3A_499, %sign3A_506 : i32
      %rem3A_508 = arith.remsi %add3A_490, %jit3A_491 : i32
      %ne3A_509 = arith.constant 0 : i32
      %ne3A_510 = arith.cmpi ne, %rem3A_508, %ne3A_509 : i32
      %and3A_511 = arith.andi %ne3A_507, %ne3A_510 : i1
      %sub3A_512 = arith.constant 1 : i32
      %sub3A_513 = arith.subi %div3A_492, %sub3A_512 : i32
      %select_n3A_514 = arith.select %and3A_511, %sub3A_513, %div3A_492 : i32
      %jit3A_515 = arith.constant 50 : i32
      %eq3A_516 = arith.constant 0 : i32
      %eq3A_517 = arith.cmpi eq, %jit3A_515, %eq3A_516 : i32
      %jit3A_518 = arith.constant 1 : i32
      %select_n3A_519 = arith.select %eq3A_517, %jit3A_518, %jit3A_515 : i32
      %rem3A_520 = arith.remsi %select_n3A_514, %select_n3A_519 : i32
      %ne3A_521 = arith.constant 0 : i32
      %ne3A_522 = arith.cmpi ne, %rem3A_520, %ne3A_521 : i32
      %lt3A_523 = arith.constant 0 : i32
      %lt3A_524 = arith.cmpi slt, %rem3A_520, %lt3A_523 : i32
      %lt3A_525 = arith.constant 0 : i32
      %lt3A_526 = arith.cmpi slt, %select_n3A_519, %lt3A_525 : i32
      %ne3A_527 = arith.xori %lt3A_524, %lt3A_526 : i1
      %and3A_528 = arith.andi %ne3A_527, %ne3A_522 : i1
      %add3A_529 = arith.addi %rem3A_520, %select_n3A_519 : i32
      %select_n3A_530 = arith.select %and3A_528, %add3A_529, %rem3A_520 : i32
      %mul3A_531 = arith.constant 20 : i32
      %mul3A_532 = arith.muli %select_n3A_530, %mul3A_531 : i32
      %jit3A_533 = arith.constant 50 : i32
      %div3A_534 = arith.divsi %select_n3A_514, %jit3A_533 : i32
      %sign3A_535 = arith.constant 0 : i32
      %sign3A_536 = arith.cmpi sgt, %select_n3A_514, %sign3A_535 : i32
      %sign3A_537 = arith.extui %sign3A_536 : i1 to i32
      %sign3A_538 = arith.constant 0 : i32
      %sign3A_539 = arith.cmpi slt, %select_n3A_514, %sign3A_538 : i32
      %sign3A_540 = arith.extui %sign3A_539 : i1 to i32
      %sign3A_541 = arith.subi %sign3A_537, %sign3A_540 : i32
      %sign3A_542 = arith.constant 0 : i32
      %sign3A_543 = arith.cmpi sgt, %jit3A_533, %sign3A_542 : i32
      %sign3A_544 = arith.extui %sign3A_543 : i1 to i32
      %sign3A_545 = arith.constant 0 : i32
      %sign3A_546 = arith.cmpi slt, %jit3A_533, %sign3A_545 : i32
      %sign3A_547 = arith.extui %sign3A_546 : i1 to i32
      %sign3A_548 = arith.subi %sign3A_544, %sign3A_547 : i32
      %ne3A_549 = arith.cmpi ne, %sign3A_541, %sign3A_548 : i32
      %rem3A_550 = arith.remsi %select_n3A_514, %jit3A_533 : i32
      %ne3A_551 = arith.constant 0 : i32
      %ne3A_552 = arith.cmpi ne, %rem3A_550, %ne3A_551 : i32
      %and3A_553 = arith.andi %ne3A_549, %ne3A_552 : i1
      %sub3A_554 = arith.constant 1 : i32
      %sub3A_555 = arith.subi %div3A_534, %sub3A_554 : i32
      %select_n3A_556 = arith.select %and3A_553, %sub3A_555, %div3A_534 : i32
      %add3A_557 = arith.addi %mul3A_532, %select_n3A_556 : i32
      %mul3A_558 = arith.constant 4 : i32
      %mul3A_559 = arith.muli %add3A_557, %mul3A_558 : i32
      %jit3A_560 = arith.constant 4 : i32
      %eq3A_561 = arith.constant 0 : i32
      %eq3A_562 = arith.cmpi eq, %jit3A_560, %eq3A_561 : i32
      %jit3A_563 = arith.constant 1 : i32
      %select_n3A_564 = arith.select %eq3A_562, %jit3A_563, %jit3A_560 : i32
      %rem3A_565 = arith.remsi %add3A_490, %select_n3A_564 : i32
      %ne3A_566 = arith.constant 0 : i32
      %ne3A_567 = arith.cmpi ne, %rem3A_565, %ne3A_566 : i32
      %lt3A_568 = arith.constant 0 : i32
      %lt3A_569 = arith.cmpi slt, %rem3A_565, %lt3A_568 : i32
      %lt3A_570 = arith.constant 0 : i32
      %lt3A_571 = arith.cmpi slt, %select_n3A_564, %lt3A_570 : i32
      %ne3A_572 = arith.xori %lt3A_569, %lt3A_571 : i1
      %and3A_573 = arith.andi %ne3A_572, %ne3A_567 : i1
      %add3A_574 = arith.addi %rem3A_565, %select_n3A_564 : i32
      %select_n3A_575 = arith.select %and3A_573, %add3A_574, %rem3A_565 : i32
      %add3A_576 = arith.addi %mul3A_559, %select_n3A_575 : i32
      %mul3A_577 = arith.constant 8192 : i32
      %mul3A_578 = arith.muli %add3A_576, %mul3A_577 : i32
      %dma_start3A_579 = arith.constant 1 : i32
      %dma_start3A_580 = arith.constant 0 : i32
      %dma_start3A_581 = tpu.memref_slice %arg7[%dma_start3A_579, %dma_start3A_580] : memref<2x8192xf32, #tpu.memory_space<vmem>> -> memref<1x8192xf32, #tpu.memory_space<vmem>>
      %dma_start3A_582 = tpu.memref_squeeze %dma_start3A_581 : memref<1x8192xf32, #tpu.memory_space<vmem>> -> memref<8192xf32, #tpu.memory_space<vmem>>
      %dma_start3A_583 = tpu.memref_slice %arg4[%mul3A_578] : memref<32768000xf32, #tpu.memory_space<hbm>> -> memref<8192xf32, #tpu.memory_space<hbm>>
      %dma_start3A_584 = tpu.memref_slice %arg4[%mul3A_578] : memref<32768000xf32, #tpu.memory_space<hbm>> -> memref<8192xf32, #tpu.memory_space<hbm>>
      %dma_start3A_585 = arith.constant 0 : i32
      %dma_start3A_586 = tpu.memref_slice %arg7[%dma_start3A_579, %dma_start3A_585] : memref<2x8192xf32, #tpu.memory_space<vmem>> -> memref<1x8192xf32, #tpu.memory_space<vmem>>
      %dma_start3A_587 = tpu.memref_squeeze %dma_start3A_586 : memref<1x8192xf32, #tpu.memory_space<vmem>> -> memref<8192xf32, #tpu.memory_space<vmem>>
      tpu.enqueue_dma source(%dma_start3A_587 : memref<8192xf32, #tpu.memory_space<vmem>>) target(%dma_start3A_584 : memref<8192xf32, #tpu.memory_space<hbm>>) target_semaphore(%arg9 : memref<!tpu.dma_semaphore, #tpu.memory_space<semaphore_mem>>)
    }
    %scan3A_27 = arith.constant 62 : i32
    %dma_wait3A = arith.constant 0 : i32
    %dma_wait3A_28 = arith.constant 0 : i32
    %dma_wait3A_29 = tpu.memref_slice %arg7[%dma_wait3A, %dma_wait3A_28] : memref<2x8192xf32, #tpu.memory_space<vmem>> -> memref<1x8192xf32, #tpu.memory_space<vmem>>
    %dma_wait3A_30 = tpu.memref_squeeze %dma_wait3A_29 : memref<1x8192xf32, #tpu.memory_space<vmem>> -> memref<8192xf32, #tpu.memory_space<vmem>>
    %dma_wait3A_31 = arith.constant 0 : i32
    %dma_wait3A_32 = tpu.memref_slice %arg4[%dma_wait3A_31] : memref<32768000xf32, #tpu.memory_space<hbm>> -> memref<8192xf32, #tpu.memory_space<hbm>>
    %dma_wait3A_33 = arith.constant 0 : i32
    %dma_wait3A_34 = tpu.memref_slice %arg7[%dma_wait3A, %dma_wait3A_33] : memref<2x8192xf32, #tpu.memory_space<vmem>> -> memref<1x8192xf32, #tpu.memory_space<vmem>>
    %dma_wait3A_35 = tpu.memref_squeeze %dma_wait3A_34 : memref<1x8192xf32, #tpu.memory_space<vmem>> -> memref<8192xf32, #tpu.memory_space<vmem>>
    %dma_wait3A_36 = arith.constant 0 : i32
    %dma_wait3A_37 = tpu.memref_slice %arg4[%dma_wait3A_36] : memref<32768000xf32, #tpu.memory_space<hbm>> -> memref<8192xf32, #tpu.memory_space<hbm>>
    tpu.wait_dma2 semaphore(%arg8 : memref<!tpu.dma_semaphore, #tpu.memory_space<semaphore_mem>>) src(%dma_wait3A_37 : memref<8192xf32, #tpu.memory_space<hbm>>) dst(%dma_wait3A_35 : memref<8192xf32, #tpu.memory_space<vmem>>)
    %add3A_38 = arith.constant 125 : i32
    %add3A_39 = arith.addi %mul3A_2, %add3A_38 : i32
    %sub3A_40 = arith.constant 1 : i32
    %sub3A_41 = arith.subi %add3A_39, %sub3A_40 : i32
    %jit3A_42 = arith.constant 4 : i32
    %div3A_43 = arith.divsi %sub3A_41, %jit3A_42 : i32
    %sign3A_44 = arith.constant 0 : i32
    %sign3A_45 = arith.cmpi sgt, %sub3A_41, %sign3A_44 : i32
    %sign3A_46 = arith.extui %sign3A_45 : i1 to i32
    %sign3A_47 = arith.constant 0 : i32
    %sign3A_48 = arith.cmpi slt, %sub3A_41, %sign3A_47 : i32
    %sign3A_49 = arith.extui %sign3A_48 : i1 to i32
    %sign3A_50 = arith.subi %sign3A_46, %sign3A_49 : i32
    %sign3A_51 = arith.constant 0 : i32
    %sign3A_52 = arith.cmpi sgt, %jit3A_42, %sign3A_51 : i32
    %sign3A_53 = arith.extui %sign3A_52 : i1 to i32
    %sign3A_54 = arith.constant 0 : i32
    %sign3A_55 = arith.cmpi slt, %jit3A_42, %sign3A_54 : i32
    %sign3A_56 = arith.extui %sign3A_55 : i1 to i32
    %sign3A_57 = arith.subi %sign3A_53, %sign3A_56 : i32
    %ne3A_58 = arith.cmpi ne, %sign3A_50, %sign3A_57 : i32
    %rem3A_59 = arith.remsi %sub3A_41, %jit3A_42 : i32
    %ne3A_60 = arith.constant 0 : i32
    %ne3A_61 = arith.cmpi ne, %rem3A_59, %ne3A_60 : i32
    %and3A_62 = arith.andi %ne3A_58, %ne3A_61 : i1
    %sub3A_63 = arith.constant 1 : i32
    %sub3A_64 = arith.subi %div3A_43, %sub3A_63 : i32
    %select_n3A_65 = arith.select %and3A_62, %sub3A_64, %div3A_43 : i32
    %jit3A_66 = arith.constant 4 : i32
    %eq3A = arith.constant 0 : i32
    %eq3A_67 = arith.cmpi eq, %jit3A_66, %eq3A : i32
    %jit3A_68 = arith.constant 1 : i32
    %select_n3A_69 = arith.select %eq3A_67, %jit3A_68, %jit3A_66 : i32
    %rem3A_70 = arith.remsi %sub3A_41, %select_n3A_69 : i32
    %ne3A_71 = arith.constant 0 : i32
    %ne3A_72 = arith.cmpi ne, %rem3A_70, %ne3A_71 : i32
    %lt3A = arith.constant 0 : i32
    %lt3A_73 = arith.cmpi slt, %rem3A_70, %lt3A : i32
    %lt3A_74 = arith.constant 0 : i32
    %lt3A_75 = arith.cmpi slt, %select_n3A_69, %lt3A_74 : i32
    %ne3A_76 = arith.xori %lt3A_73, %lt3A_75 : i1
    %and3A_77 = arith.andi %ne3A_76, %ne3A_72 : i1
    %add3A_78 = arith.addi %rem3A_70, %select_n3A_69 : i32
    %select_n3A_79 = arith.select %and3A_77, %add3A_78, %rem3A_70 : i32
    %mul3A_80 = arith.constant 8 : i32
    %mul3A_81 = arith.muli %select_n3A_79, %mul3A_80 : i32
    %mul3A_82 = arith.constant 128 : i32
    %mul3A_83 = arith.muli %mul3A_81, %mul3A_82 : i32
    %sub3A_84 = arith.subi %select_n3A_65, %select_n3A : i32
    %add3A_85 = arith.constant 0 : i32
    %add3A_86 = arith.addi %mul3A_83, %add3A_85 : i32
    %broadcast_in_dim3A = vector.broadcast %add3A_86 : i32 to vector<16xi32>
    %add3A_87 = arith.constant 128 : i32
    %add3A_88 = arith.addi %mul3A_83, %add3A_87 : i32
    %broadcast_in_dim3A_89 = vector.broadcast %add3A_88 : i32 to vector<16xi32>
    %add3A_90 = arith.constant 256 : i32
    %add3A_91 = arith.addi %mul3A_83, %add3A_90 : i32
    %broadcast_in_dim3A_92 = vector.broadcast %add3A_91 : i32 to vector<16xi32>
    %add3A_93 = arith.constant 384 : i32
    %add3A_94 = arith.addi %mul3A_83, %add3A_93 : i32
    %broadcast_in_dim3A_95 = vector.broadcast %add3A_94 : i32 to vector<16xi32>
    %add3A_96 = arith.constant 512 : i32
    %add3A_97 = arith.addi %mul3A_83, %add3A_96 : i32
    %broadcast_in_dim3A_98 = vector.broadcast %add3A_97 : i32 to vector<16xi32>
    %add3A_99 = arith.constant 640 : i32
    %add3A_100 = arith.addi %mul3A_83, %add3A_99 : i32
    %broadcast_in_dim3A_101 = vector.broadcast %add3A_100 : i32 to vector<16xi32>
    %add3A_102 = arith.constant 768 : i32
    %add3A_103 = arith.addi %mul3A_83, %add3A_102 : i32
    %broadcast_in_dim3A_104 = vector.broadcast %add3A_103 : i32 to vector<16xi32>
    %add3A_105 = arith.constant 896 : i32
    %add3A_106 = arith.addi %mul3A_83, %add3A_105 : i32
    %broadcast_in_dim3A_107 = vector.broadcast %add3A_106 : i32 to vector<16xi32>
    %parallel_loop3A = arith.constant 0 : i32
    %parallel_loop3A_108 = arith.constant 64 : i32
    %parallel_loop3A_109 = arith.constant 1 : i32
    %parallel_loop3A_110 = arith.constant 0 : i32
    scf.for %parallel_loop3A_233 = %parallel_loop3A to %parallel_loop3A_108 step %parallel_loop3A_109  : i32 {
      %parallel_loop3A_234 = arith.constant 1024 : i32
      %parallel_loop3A_235 = arith.muli %sub3A_84, %parallel_loop3A_234 : i32
      %parallel_loop3A_236 = arith.constant 16 : i32
      %parallel_loop3A_237 = arith.muli %parallel_loop3A_233, %parallel_loop3A_236 : i32
      %parallel_loop3A_238 = arith.addi %parallel_loop3A_235, %parallel_loop3A_237 : i32
      %parallel_loop3A_239 = arith.index_cast %parallel_loop3A_238 : i32 to index
      %parallel_loop3A_240 = tpu.vector_load %arg5[%parallel_loop3A_239] {strides = array<i32>} : memref<32768xi32, #tpu.memory_space<vmem>>, vector<16xi32>,
      %parallel_loop3A_241 = arith.constant 8 : i32
      %parallel_loop3A_242 = arith.divsi %parallel_loop3A_233, %parallel_loop3A_241 : i32
      %parallel_loop3A_243 = arith.constant 0 : i32
      %parallel_loop3A_244 = arith.cmpi sgt, %parallel_loop3A_233, %parallel_loop3A_243 : i32
      %parallel_loop3A_245 = arith.extui %parallel_loop3A_244 : i1 to i32
      %parallel_loop3A_246 = arith.constant 0 : i32
      %parallel_loop3A_247 = arith.cmpi slt, %parallel_loop3A_233, %parallel_loop3A_246 : i32
      %parallel_loop3A_248 = arith.extui %parallel_loop3A_247 : i1 to i32
      %parallel_loop3A_249 = arith.subi %parallel_loop3A_245, %parallel_loop3A_248 : i32
      %parallel_loop3A_250 = arith.constant 0 : i32
      %parallel_loop3A_251 = arith.cmpi sgt, %parallel_loop3A_241, %parallel_loop3A_250 : i32
      %parallel_loop3A_252 = arith.extui %parallel_loop3A_251 : i1 to i32
      %parallel_loop3A_253 = arith.constant 0 : i32
      %parallel_loop3A_254 = arith.cmpi slt, %parallel_loop3A_241, %parallel_loop3A_253 : i32
      %parallel_loop3A_255 = arith.extui %parallel_loop3A_254 : i1 to i32
      %parallel_loop3A_256 = arith.subi %parallel_loop3A_252, %parallel_loop3A_255 : i32
      %parallel_loop3A_257 = arith.cmpi ne, %parallel_loop3A_249, %parallel_loop3A_256 : i32
      %parallel_loop3A_258 = arith.remsi %parallel_loop3A_233, %parallel_loop3A_241 : i32
      %parallel_loop3A_259 = arith.constant 0 : i32
      %parallel_loop3A_260 = arith.cmpi ne, %parallel_loop3A_258, %parallel_loop3A_259 : i32
      %parallel_loop3A_261 = arith.andi %parallel_loop3A_257, %parallel_loop3A_260 : i1
      %parallel_loop3A_262 = arith.constant 1 : i32
      %parallel_loop3A_263 = arith.subi %parallel_loop3A_242, %parallel_loop3A_262 : i32
      %parallel_loop3A_264 = arith.select %parallel_loop3A_261, %parallel_loop3A_263, %parallel_loop3A_242 : i32
      %parallel_loop3A_265 = arith.constant 1024 : i32
      %parallel_loop3A_266 = arith.muli %parallel_loop3A_264, %parallel_loop3A_265 : i32
      %parallel_loop3A_267 = arith.constant 8 : i32
      %parallel_loop3A_268 = arith.constant 0 : i32
      %parallel_loop3A_269 = arith.cmpi eq, %parallel_loop3A_267, %parallel_loop3A_268 : i32
      %parallel_loop3A_270 = arith.constant 1 : i32
      %parallel_loop3A_271 = arith.select %parallel_loop3A_269, %parallel_loop3A_270, %parallel_loop3A_267 : i32
      %parallel_loop3A_272 = arith.remsi %parallel_loop3A_233, %parallel_loop3A_271 : i32
      %parallel_loop3A_273 = arith.constant 0 : i32
      %parallel_loop3A_274 = arith.cmpi ne, %parallel_loop3A_272, %parallel_loop3A_273 : i32
      %parallel_loop3A_275 = arith.constant 0 : i32
      %parallel_loop3A_276 = arith.cmpi slt, %parallel_loop3A_272, %parallel_loop3A_275 : i32
      %parallel_loop3A_277 = arith.constant 0 : i32
      %parallel_loop3A_278 = arith.cmpi slt, %parallel_loop3A_271, %parallel_loop3A_277 : i32
      %parallel_loop3A_279 = arith.xori %parallel_loop3A_276, %parallel_loop3A_278 : i1
      %parallel_loop3A_280 = arith.andi %parallel_loop3A_279, %parallel_loop3A_274 : i1
      %parallel_loop3A_281 = arith.addi %parallel_loop3A_272, %parallel_loop3A_271 : i32
      %parallel_loop3A_282 = arith.select %parallel_loop3A_280, %parallel_loop3A_281, %parallel_loop3A_272 : i32
      %parallel_loop3A_283 = arith.constant 16 : i32
      %parallel_loop3A_284 = arith.muli %parallel_loop3A_282, %parallel_loop3A_283 : i32
      %parallel_loop3A_285 = arith.addi %parallel_loop3A_266, %parallel_loop3A_284 : i32
      %parallel_loop3A_286 = arith.addi %broadcast_in_dim3A, %parallel_loop3A_240 : vector<16xi32>
      %parallel_loop3A_287 = tpu.vector_load_idx %arg6[%parallel_loop3A_286] : memref<4096xf32, #tpu.memory_space<vmem>>[vector<16xi32>], vector<16xf32>,
      %parallel_loop3A_288 = arith.constant 0 : i32
      %parallel_loop3A_289 = arith.addi %parallel_loop3A_285, %parallel_loop3A_288 : i32
      %parallel_loop3A_290 = arith.constant 0 : i32
      %parallel_loop3A_291 = tpu.memref_slice %arg7[%parallel_loop3A_110, %parallel_loop3A_290] : memref<2x8192xf32, #tpu.memory_space<vmem>> -> memref<1x8192xf32, #tpu.memory_space<vmem>>
      %parallel_loop3A_292 = tpu.memref_squeeze %parallel_loop3A_291 : memref<1x8192xf32, #tpu.memory_space<vmem>> -> memref<8192xf32, #tpu.memory_space<vmem>>
      %parallel_loop3A_293 = arith.index_cast %parallel_loop3A_289 : i32 to index
      %parallel_loop3A_294 = tpu.vector_load %parallel_loop3A_292[%parallel_loop3A_293] {strides = array<i32>} : memref<8192xf32, #tpu.memory_space<vmem>>, vector<16xf32>,
      tpu.vector_store %parallel_loop3A_292[%parallel_loop3A_293], %parallel_loop3A_287 {strides = array<i32>} : memref<8192xf32, #tpu.memory_space<vmem>>, vector<16xf32>,
      %parallel_loop3A_295 = arith.addi %broadcast_in_dim3A_89, %parallel_loop3A_240 : vector<16xi32>
      %parallel_loop3A_296 = tpu.vector_load_idx %arg6[%parallel_loop3A_295] : memref<4096xf32, #tpu.memory_space<vmem>>[vector<16xi32>], vector<16xf32>,
      %parallel_loop3A_297 = arith.constant 128 : i32
      %parallel_loop3A_298 = arith.addi %parallel_loop3A_285, %parallel_loop3A_297 : i32
      %parallel_loop3A_299 = arith.constant 0 : i32
      %parallel_loop3A_300 = tpu.memref_slice %arg7[%parallel_loop3A_110, %parallel_loop3A_299] : memref<2x8192xf32, #tpu.memory_space<vmem>> -> memref<1x8192xf32, #tpu.memory_space<vmem>>
      %parallel_loop3A_301 = tpu.memref_squeeze %parallel_loop3A_300 : memref<1x8192xf32, #tpu.memory_space<vmem>> -> memref<8192xf32, #tpu.memory_space<vmem>>
      %parallel_loop3A_302 = arith.index_cast %parallel_loop3A_298 : i32 to index
      %parallel_loop3A_303 = tpu.vector_load %parallel_loop3A_301[%parallel_loop3A_302] {strides = array<i32>} : memref<8192xf32, #tpu.memory_space<vmem>>, vector<16xf32>,
      tpu.vector_store %parallel_loop3A_301[%parallel_loop3A_302], %parallel_loop3A_296 {strides = array<i32>} : memref<8192xf32, #tpu.memory_space<vmem>>, vector<16xf32>,
      %parallel_loop3A_304 = arith.addi %broadcast_in_dim3A_92, %parallel_loop3A_240 : vector<16xi32>
      %parallel_loop3A_305 = tpu.vector_load_idx %arg6[%parallel_loop3A_304] : memref<4096xf32, #tpu.memory_space<vmem>>[vector<16xi32>], vector<16xf32>,
      %parallel_loop3A_306 = arith.constant 256 : i32
      %parallel_loop3A_307 = arith.addi %parallel_loop3A_285, %parallel_loop3A_306 : i32
      %parallel_loop3A_308 = arith.constant 0 : i32
      %parallel_loop3A_309 = tpu.memref_slice %arg7[%parallel_loop3A_110, %parallel_loop3A_308] : memref<2x8192xf32, #tpu.memory_space<vmem>> -> memref<1x8192xf32, #tpu.memory_space<vmem>>
      %parallel_loop3A_310 = tpu.memref_squeeze %parallel_loop3A_309 : memref<1x8192xf32, #tpu.memory_space<vmem>> -> memref<8192xf32, #tpu.memory_space<vmem>>
      %parallel_loop3A_311 = arith.index_cast %parallel_loop3A_307 : i32 to index
      %parallel_loop3A_312 = tpu.vector_load %parallel_loop3A_310[%parallel_loop3A_311] {strides = array<i32>} : memref<8192xf32, #tpu.memory_space<vmem>>, vector<16xf32>,
      tpu.vector_store %parallel_loop3A_310[%parallel_loop3A_311], %parallel_loop3A_305 {strides = array<i32>} : memref<8192xf32, #tpu.memory_space<vmem>>, vector<16xf32>,
      %parallel_loop3A_313 = arith.addi %broadcast_in_dim3A_95, %parallel_loop3A_240 : vector<16xi32>
      %parallel_loop3A_314 = tpu.vector_load_idx %arg6[%parallel_loop3A_313] : memref<4096xf32, #tpu.memory_space<vmem>>[vector<16xi32>], vector<16xf32>,
      %parallel_loop3A_315 = arith.constant 384 : i32
      %parallel_loop3A_316 = arith.addi %parallel_loop3A_285, %parallel_loop3A_315 : i32
      %parallel_loop3A_317 = arith.constant 0 : i32
      %parallel_loop3A_318 = tpu.memref_slice %arg7[%parallel_loop3A_110, %parallel_loop3A_317] : memref<2x8192xf32, #tpu.memory_space<vmem>> -> memref<1x8192xf32, #tpu.memory_space<vmem>>
      %parallel_loop3A_319 = tpu.memref_squeeze %parallel_loop3A_318 : memref<1x8192xf32, #tpu.memory_space<vmem>> -> memref<8192xf32, #tpu.memory_space<vmem>>
      %parallel_loop3A_320 = arith.index_cast %parallel_loop3A_316 : i32 to index
      %parallel_loop3A_321 = tpu.vector_load %parallel_loop3A_319[%parallel_loop3A_320] {strides = array<i32>} : memref<8192xf32, #tpu.memory_space<vmem>>, vector<16xf32>,
      tpu.vector_store %parallel_loop3A_319[%parallel_loop3A_320], %parallel_loop3A_314 {strides = array<i32>} : memref<8192xf32, #tpu.memory_space<vmem>>, vector<16xf32>,
      %parallel_loop3A_322 = arith.addi %broadcast_in_dim3A_98, %parallel_loop3A_240 : vector<16xi32>
      %parallel_loop3A_323 = tpu.vector_load_idx %arg6[%parallel_loop3A_322] : memref<4096xf32, #tpu.memory_space<vmem>>[vector<16xi32>], vector<16xf32>,
      %parallel_loop3A_324 = arith.constant 512 : i32
      %parallel_loop3A_325 = arith.addi %parallel_loop3A_285, %parallel_loop3A_324 : i32
      %parallel_loop3A_326 = arith.constant 0 : i32
      %parallel_loop3A_327 = tpu.memref_slice %arg7[%parallel_loop3A_110, %parallel_loop3A_326] : memref<2x8192xf32, #tpu.memory_space<vmem>> -> memref<1x8192xf32, #tpu.memory_space<vmem>>
      %parallel_loop3A_328 = tpu.memref_squeeze %parallel_loop3A_327 : memref<1x8192xf32, #tpu.memory_space<vmem>> -> memref<8192xf32, #tpu.memory_space<vmem>>
      %parallel_loop3A_329 = arith.index_cast %parallel_loop3A_325 : i32 to index
      %parallel_loop3A_330 = tpu.vector_load %parallel_loop3A_328[%parallel_loop3A_329] {strides = array<i32>} : memref<8192xf32, #tpu.memory_space<vmem>>, vector<16xf32>,
      tpu.vector_store %parallel_loop3A_328[%parallel_loop3A_329], %parallel_loop3A_323 {strides = array<i32>} : memref<8192xf32, #tpu.memory_space<vmem>>, vector<16xf32>,
      %parallel_loop3A_331 = arith.addi %broadcast_in_dim3A_101, %parallel_loop3A_240 : vector<16xi32>
      %parallel_loop3A_332 = tpu.vector_load_idx %arg6[%parallel_loop3A_331] : memref<4096xf32, #tpu.memory_space<vmem>>[vector<16xi32>], vector<16xf32>,
      %parallel_loop3A_333 = arith.constant 640 : i32
      %parallel_loop3A_334 = arith.addi %parallel_loop3A_285, %parallel_loop3A_333 : i32
      %parallel_loop3A_335 = arith.constant 0 : i32
      %parallel_loop3A_336 = tpu.memref_slice %arg7[%parallel_loop3A_110, %parallel_loop3A_335] : memref<2x8192xf32, #tpu.memory_space<vmem>> -> memref<1x8192xf32, #tpu.memory_space<vmem>>
      %parallel_loop3A_337 = tpu.memref_squeeze %parallel_loop3A_336 : memref<1x8192xf32, #tpu.memory_space<vmem>> -> memref<8192xf32, #tpu.memory_space<vmem>>
      %parallel_loop3A_338 = arith.index_cast %parallel_loop3A_334 : i32 to index
      %parallel_loop3A_339 = tpu.vector_load %parallel_loop3A_337[%parallel_loop3A_338] {strides = array<i32>} : memref<8192xf32, #tpu.memory_space<vmem>>, vector<16xf32>,
      tpu.vector_store %parallel_loop3A_337[%parallel_loop3A_338], %parallel_loop3A_332 {strides = array<i32>} : memref<8192xf32, #tpu.memory_space<vmem>>, vector<16xf32>,
      %parallel_loop3A_340 = arith.addi %broadcast_in_dim3A_104, %parallel_loop3A_240 : vector<16xi32>
      %parallel_loop3A_341 = tpu.vector_load_idx %arg6[%parallel_loop3A_340] : memref<4096xf32, #tpu.memory_space<vmem>>[vector<16xi32>], vector<16xf32>,
      %parallel_loop3A_342 = arith.constant 768 : i32
      %parallel_loop3A_343 = arith.addi %parallel_loop3A_285, %parallel_loop3A_342 : i32
      %parallel_loop3A_344 = arith.constant 0 : i32
      %parallel_loop3A_345 = tpu.memref_slice %arg7[%parallel_loop3A_110, %parallel_loop3A_344] : memref<2x8192xf32, #tpu.memory_space<vmem>> -> memref<1x8192xf32, #tpu.memory_space<vmem>>
      %parallel_loop3A_346 = tpu.memref_squeeze %parallel_loop3A_345 : memref<1x8192xf32, #tpu.memory_space<vmem>> -> memref<8192xf32, #tpu.memory_space<vmem>>
      %parallel_loop3A_347 = arith.index_cast %parallel_loop3A_343 : i32 to index
      %parallel_loop3A_348 = tpu.vector_load %parallel_loop3A_346[%parallel_loop3A_347] {strides = array<i32>} : memref<8192xf32, #tpu.memory_space<vmem>>, vector<16xf32>,
      tpu.vector_store %parallel_loop3A_346[%parallel_loop3A_347], %parallel_loop3A_341 {strides = array<i32>} : memref<8192xf32, #tpu.memory_space<vmem>>, vector<16xf32>,
      %parallel_loop3A_349 = arith.addi %broadcast_in_dim3A_107, %parallel_loop3A_240 : vector<16xi32>
      %parallel_loop3A_350 = tpu.vector_load_idx %arg6[%parallel_loop3A_349] : memref<4096xf32, #tpu.memory_space<vmem>>[vector<16xi32>], vector<16xf32>,
      %parallel_loop3A_351 = arith.constant 896 : i32
      %parallel_loop3A_352 = arith.addi %parallel_loop3A_285, %parallel_loop3A_351 : i32
      %parallel_loop3A_353 = arith.constant 0 : i32
      %parallel_loop3A_354 = tpu.memref_slice %arg7[%parallel_loop3A_110, %parallel_loop3A_353] : memref<2x8192xf32, #tpu.memory_space<vmem>> -> memref<1x8192xf32, #tpu.memory_space<vmem>>
      %parallel_loop3A_355 = tpu.memref_squeeze %parallel_loop3A_354 : memref<1x8192xf32, #tpu.memory_space<vmem>> -> memref<8192xf32, #tpu.memory_space<vmem>>
      %parallel_loop3A_356 = arith.index_cast %parallel_loop3A_352 : i32 to index
      %parallel_loop3A_357 = tpu.vector_load %parallel_loop3A_355[%parallel_loop3A_356] {strides = array<i32>} : memref<8192xf32, #tpu.memory_space<vmem>>, vector<16xf32>,
      tpu.vector_store %parallel_loop3A_355[%parallel_loop3A_356], %parallel_loop3A_350 {strides = array<i32>} : memref<8192xf32, #tpu.memory_space<vmem>>, vector<16xf32>,
    } {sc.loop_unroll_factor = 2 : i64, sc.parallel_access}
    %add3A_111 = arith.constant 125 : i32
    %add3A_112 = arith.addi %mul3A_2, %add3A_111 : i32
    %sub3A_113 = arith.constant 1 : i32
    %sub3A_114 = arith.subi %add3A_112, %sub3A_113 : i32
    %jit3A_115 = arith.constant 4 : i32
    %div3A_116 = arith.divsi %sub3A_114, %jit3A_115 : i32
    %sign3A_117 = arith.constant 0 : i32
    %sign3A_118 = arith.cmpi sgt, %sub3A_114, %sign3A_117 : i32
    %sign3A_119 = arith.extui %sign3A_118 : i1 to i32
    %sign3A_120 = arith.constant 0 : i32
    %sign3A_121 = arith.cmpi slt, %sub3A_114, %sign3A_120 : i32
    %sign3A_122 = arith.extui %sign3A_121 : i1 to i32
    %sign3A_123 = arith.subi %sign3A_119, %sign3A_122 : i32
    %sign3A_124 = arith.constant 0 : i32
    %sign3A_125 = arith.cmpi sgt, %jit3A_115, %sign3A_124 : i32
    %sign3A_126 = arith.extui %sign3A_125 : i1 to i32
    %sign3A_127 = arith.constant 0 : i32
    %sign3A_128 = arith.cmpi slt, %jit3A_115, %sign3A_127 : i32
    %sign3A_129 = arith.extui %sign3A_128 : i1 to i32
    %sign3A_130 = arith.subi %sign3A_126, %sign3A_129 : i32
    %ne3A_131 = arith.cmpi ne, %sign3A_123, %sign3A_130 : i32
    %rem3A_132 = arith.remsi %sub3A_114, %jit3A_115 : i32
    %ne3A_133 = arith.constant 0 : i32
    %ne3A_134 = arith.cmpi ne, %rem3A_132, %ne3A_133 : i32
    %and3A_135 = arith.andi %ne3A_131, %ne3A_134 : i1
    %sub3A_136 = arith.constant 1 : i32
    %sub3A_137 = arith.subi %div3A_116, %sub3A_136 : i32
    %select_n3A_138 = arith.select %and3A_135, %sub3A_137, %div3A_116 : i32
    %jit3A_139 = arith.constant 50 : i32
    %eq3A_140 = arith.constant 0 : i32
    %eq3A_141 = arith.cmpi eq, %jit3A_139, %eq3A_140 : i32
    %jit3A_142 = arith.constant 1 : i32
    %select_n3A_143 = arith.select %eq3A_141, %jit3A_142, %jit3A_139 : i32
    %rem3A_144 = arith.remsi %select_n3A_138, %select_n3A_143 : i32
    %ne3A_145 = arith.constant 0 : i32
    %ne3A_146 = arith.cmpi ne, %rem3A_144, %ne3A_145 : i32
    %lt3A_147 = arith.constant 0 : i32
    %lt3A_148 = arith.cmpi slt, %rem3A_144, %lt3A_147 : i32
    %lt3A_149 = arith.constant 0 : i32
    %lt3A_150 = arith.cmpi slt, %select_n3A_143, %lt3A_149 : i32
    %ne3A_151 = arith.xori %lt3A_148, %lt3A_150 : i1
    %and3A_152 = arith.andi %ne3A_151, %ne3A_146 : i1
    %add3A_153 = arith.addi %rem3A_144, %select_n3A_143 : i32
    %select_n3A_154 = arith.select %and3A_152, %add3A_153, %rem3A_144 : i32
    %mul3A_155 = arith.constant 20 : i32
    %mul3A_156 = arith.muli %select_n3A_154, %mul3A_155 : i32
    %jit3A_157 = arith.constant 50 : i32
    %div3A_158 = arith.divsi %select_n3A_138, %jit3A_157 : i32
    %sign3A_159 = arith.constant 0 : i32
    %sign3A_160 = arith.cmpi sgt, %select_n3A_138, %sign3A_159 : i32
    %sign3A_161 = arith.extui %sign3A_160 : i1 to i32
    %sign3A_162 = arith.constant 0 : i32
    %sign3A_163 = arith.cmpi slt, %select_n3A_138, %sign3A_162 : i32
    %sign3A_164 = arith.extui %sign3A_163 : i1 to i32
    %sign3A_165 = arith.subi %sign3A_161, %sign3A_164 : i32
    %sign3A_166 = arith.constant 0 : i32
    %sign3A_167 = arith.cmpi sgt, %jit3A_157, %sign3A_166 : i32
    %sign3A_168 = arith.extui %sign3A_167 : i1 to i32
    %sign3A_169 = arith.constant 0 : i32
    %sign3A_170 = arith.cmpi slt, %jit3A_157, %sign3A_169 : i32
    %sign3A_171 = arith.extui %sign3A_170 : i1 to i32
    %sign3A_172 = arith.subi %sign3A_168, %sign3A_171 : i32
    %ne3A_173 = arith.cmpi ne, %sign3A_165, %sign3A_172 : i32
    %rem3A_174 = arith.remsi %select_n3A_138, %jit3A_157 : i32
    %ne3A_175 = arith.constant 0 : i32
    %ne3A_176 = arith.cmpi ne, %rem3A_174, %ne3A_175 : i32
    %and3A_177 = arith.andi %ne3A_173, %ne3A_176 : i1
    %sub3A_178 = arith.constant 1 : i32
    %sub3A_179 = arith.subi %div3A_158, %sub3A_178 : i32
    %select_n3A_180 = arith.select %and3A_177, %sub3A_179, %div3A_158 : i32
    %add3A_181 = arith.addi %mul3A_156, %select_n3A_180 : i32
    %mul3A_182 = arith.constant 4 : i32
    %mul3A_183 = arith.muli %add3A_181, %mul3A_182 : i32
    %jit3A_184 = arith.constant 4 : i32
    %eq3A_185 = arith.constant 0 : i32
    %eq3A_186 = arith.cmpi eq, %jit3A_184, %eq3A_185 : i32
    %jit3A_187 = arith.constant 1 : i32
    %select_n3A_188 = arith.select %eq3A_186, %jit3A_187, %jit3A_184 : i32
    %rem3A_189 = arith.remsi %sub3A_114, %select_n3A_188 : i32
    %ne3A_190 = arith.constant 0 : i32
    %ne3A_191 = arith.cmpi ne, %rem3A_189, %ne3A_190 : i32
    %lt3A_192 = arith.constant 0 : i32
    %lt3A_193 = arith.cmpi slt, %rem3A_189, %lt3A_192 : i32
    %lt3A_194 = arith.constant 0 : i32
    %lt3A_195 = arith.cmpi slt, %select_n3A_188, %lt3A_194 : i32
    %ne3A_196 = arith.xori %lt3A_193, %lt3A_195 : i1
    %and3A_197 = arith.andi %ne3A_196, %ne3A_191 : i1
    %add3A_198 = arith.addi %rem3A_189, %select_n3A_188 : i32
    %select_n3A_199 = arith.select %and3A_197, %add3A_198, %rem3A_189 : i32
    %add3A_200 = arith.addi %mul3A_183, %select_n3A_199 : i32
    %mul3A_201 = arith.constant 8192 : i32
    %mul3A_202 = arith.muli %add3A_200, %mul3A_201 : i32
    %dma_start3A = arith.constant 0 : i32
    %dma_start3A_203 = arith.constant 0 : i32
    %dma_start3A_204 = tpu.memref_slice %arg7[%dma_start3A, %dma_start3A_203] : memref<2x8192xf32, #tpu.memory_space<vmem>> -> memref<1x8192xf32, #tpu.memory_space<vmem>>
    %dma_start3A_205 = tpu.memref_squeeze %dma_start3A_204 : memref<1x8192xf32, #tpu.memory_space<vmem>> -> memref<8192xf32, #tpu.memory_space<vmem>>
    %dma_start3A_206 = tpu.memref_slice %arg4[%mul3A_202] : memref<32768000xf32, #tpu.memory_space<hbm>> -> memref<8192xf32, #tpu.memory_space<hbm>>
    %dma_start3A_207 = tpu.memref_slice %arg4[%mul3A_202] : memref<32768000xf32, #tpu.memory_space<hbm>> -> memref<8192xf32, #tpu.memory_space<hbm>>
    %dma_start3A_208 = arith.constant 0 : i32
    %dma_start3A_209 = tpu.memref_slice %arg7[%dma_start3A, %dma_start3A_208] : memref<2x8192xf32, #tpu.memory_space<vmem>> -> memref<1x8192xf32, #tpu.memory_space<vmem>>
    %dma_start3A_210 = tpu.memref_squeeze %dma_start3A_209 : memref<1x8192xf32, #tpu.memory_space<vmem>> -> memref<8192xf32, #tpu.memory_space<vmem>>
    tpu.enqueue_dma source(%dma_start3A_210 : memref<8192xf32, #tpu.memory_space<vmem>>) target(%dma_start3A_207 : memref<8192xf32, #tpu.memory_space<hbm>>) target_semaphore(%arg8 : memref<!tpu.dma_semaphore, #tpu.memory_space<semaphore_mem>>)
    %dma_wait3A_211 = arith.constant 0 : i32
    %dma_wait3A_212 = arith.constant 0 : i32
    %dma_wait3A_213 = tpu.memref_slice %arg7[%dma_wait3A_211, %dma_wait3A_212] : memref<2x8192xf32, #tpu.memory_space<vmem>> -> memref<1x8192xf32, #tpu.memory_space<vmem>>
    %dma_wait3A_214 = tpu.memref_squeeze %dma_wait3A_213 : memref<1x8192xf32, #tpu.memory_space<vmem>> -> memref<8192xf32, #tpu.memory_space<vmem>>
    %dma_wait3A_215 = arith.constant 0 : i32
    %dma_wait3A_216 = tpu.memref_slice %arg4[%dma_wait3A_215] : memref<32768000xf32, #tpu.memory_space<hbm>> -> memref<8192xf32, #tpu.memory_space<hbm>>
    %dma_wait3A_217 = arith.constant 0 : i32
    %dma_wait3A_218 = tpu.memref_slice %arg7[%dma_wait3A_211, %dma_wait3A_217] : memref<2x8192xf32, #tpu.memory_space<vmem>> -> memref<1x8192xf32, #tpu.memory_space<vmem>>
    %dma_wait3A_219 = tpu.memref_squeeze %dma_wait3A_218 : memref<1x8192xf32, #tpu.memory_space<vmem>> -> memref<8192xf32, #tpu.memory_space<vmem>>
    %dma_wait3A_220 = arith.constant 0 : i32
    %dma_wait3A_221 = tpu.memref_slice %arg4[%dma_wait3A_220] : memref<32768000xf32, #tpu.memory_space<hbm>> -> memref<8192xf32, #tpu.memory_space<hbm>>
    tpu.wait_dma2 semaphore(%arg8 : memref<!tpu.dma_semaphore, #tpu.memory_space<semaphore_mem>>) src(%dma_wait3A_221 : memref<8192xf32, #tpu.memory_space<hbm>>) dst(%dma_wait3A_219 : memref<8192xf32, #tpu.memory_space<vmem>>)
    %dma_wait3A_222 = arith.constant 0 : i32
    %dma_wait3A_223 = arith.constant 0 : i32
    %dma_wait3A_224 = tpu.memref_slice %arg7[%dma_wait3A_222, %dma_wait3A_223] : memref<2x8192xf32, #tpu.memory_space<vmem>> -> memref<1x8192xf32, #tpu.memory_space<vmem>>
    %dma_wait3A_225 = tpu.memref_squeeze %dma_wait3A_224 : memref<1x8192xf32, #tpu.memory_space<vmem>> -> memref<8192xf32, #tpu.memory_space<vmem>>
    %dma_wait3A_226 = arith.constant 0 : i32
    %dma_wait3A_227 = tpu.memref_slice %arg4[%dma_wait3A_226] : memref<32768000xf32, #tpu.memory_space<hbm>> -> memref<8192xf32, #tpu.memory_space<hbm>>
    %dma_wait3A_228 = arith.constant 0 : i32
    %dma_wait3A_229 = tpu.memref_slice %arg7[%dma_wait3A_222, %dma_wait3A_228] : memref<2x8192xf32, #tpu.memory_space<vmem>> -> memref<1x8192xf32, #tpu.memory_space<vmem>>
    %dma_wait3A_230 = tpu.memref_squeeze %dma_wait3A_229 : memref<1x8192xf32, #tpu.memory_space<vmem>> -> memref<8192xf32, #tpu.memory_space<vmem>>
    %dma_wait3A_231 = arith.constant 0 : i32
    %dma_wait3A_232 = tpu.memref_slice %arg4[%dma_wait3A_231] : memref<32768000xf32, #tpu.memory_space<hbm>> -> memref<8192xf32, #tpu.memory_space<hbm>>
    tpu.wait_dma2 semaphore(%arg9 : memref<!tpu.dma_semaphore, #tpu.memory_space<semaphore_mem>>) src(%dma_wait3A_232 : memref<8192xf32, #tpu.memory_space<hbm>>) dst(%dma_wait3A_230 : memref<8192xf32, #tpu.memory_space<vmem>>)
    return
  }
}

</mosaic_0001>

<sc_bundles>
// kernel: kernel.3.cloned.1.call-start
scs
__scs_entry_jumppad:
0x0: {  	(pc) =	sbr.rel $0x88, $3  }
0x1: {  	(tag) =	ssettag $0x0;
	lr =	simm.s32 $0x1  }
0x2: {  	[smem:$0x3F9F] =	sst lr;
	_ =	strace $0xD0000000  }
0x3: {  	_ = 	snop  }
0x4: {  	_ = 	snop  }
0x5: {  	_ = 	snop  }
0x6: {  	_ = 	snop  }
0x7: {  	_ = 	snop  }
__scs_overlays_trampoline_lowered:
0x8: {  	[smem:$0x3FAE] =	sst s0  }
0x9: {  	[smem:$0x3FAF] =	sst s1  }
0xa: {  	[smem:$0x3FB0] =	sst s2  }
0xb: {  	[smem:$0x3FB1] =	sst s3  }
0xc: {  	[smem:$0x3FB2] =	sst s4  }
0xd: {  	[smem:$0x3FB3] =	sst s5  }
0xe: {  	[smem:$0x3FB4] =	sst s6  }
0xf: {  	[smem:$0x3FB5] =	sst s7  }
0x10: {  	[smem:$0x3FB6] =	sst s8  }
0x11: {  	[smem:$0x3FB7] =	sst s9;
	s0 =	simm.s32 @!p0 $0x0  }
0x12: {  	s1 =	sld [smem:$0x3F9D];
	s0 =	simm.s32 @p0 $0x1  }
0x13: {  	[smem:$0x3FB8] =	sst s0;
	s0 =	simm.s32 @!p1 $0x0  }
0x14: {  	s2 =	sld [smem:$0x3F9C];
	s0 =	simm.s32 @p1 $0x1  }
0x15: {  	[smem:$0x3FB9] =	sst s0;
	s0 =	simm.s32 @!p2 $0x0  }
0x16: {  	s3 =	sld [smem:$0x3FDB];
	s0 =	simm.s32 @p2 $0x1  }
0x17: {  	s4 =	simm.s32 $0x1BF5;
	[smem:$0x3FBB] =	sst s0  }
0x18: {  	s0 =	sld [smem:$0x3F9E];
	_ =	swait.ge [sflag:s4], $0x0  }
0x19: {  	s7 =	sld [smem:$0x3F9F]  }
0x1a: {  	s8 =	sadd.s32 $0xFFFFE003, lr  }
0x1b: {  	s9 =	sadd.s32 $0xFFFFFEF7, lr;
	s5 =	simm.s32 $0xFFFFFFFF;
	p2 =	slt.u32 s8, $0xFFFFF086  }
0x1c: {  	p1 =	slt.u32 s9, $0xF7A;
	s5 =	simm.s32 @!p2 $0x0  }
0x1d: {  	s5 =	simm.s32 @p1 $0x1;
	p0 =	seq.s32 s7, s2  }
0x1e: {  	s7 =	smul.u32 @!p0 $0xF7A, s2;
	p2 =	seq.s32 @!p0 s5, $0x0  }
0x1f: {  	s9 =	smul.u32 $0xF7A, s1;
	s8 =	simm.s32 @!p0 $0x1BF5;
	p2 =	por !p2, p0  }
0x20: {  	[sflag:s8] =	ssyncset.s32 @!p0 $0xFFFFF086;
	s6 =	sadd.s32 @!p0 s3, s7;
	s7 =	simm.s32 @!p0 $0x108  }
0x21: {  	s3 =	sadd.s32 s3, s9;
	s6 =	sadd.s32 @!p0 $0x88, s6;
	s7 =	simm.s32 @p2 $0x1082  }
0x22: {  	[simem:s7], [sflag:s8] =	dma.local @!p0 [hbm:s6], $0xF7A  }
0x23: {  	s9 =	sor.u32 $0xD0000000, s2;
	s6 =	simm.s32 $0x108;
	_ =	swait.ge @!p0 [sflag:s8], $0x0  }
0x24: {  	s3 =	sadd.s32 $0x88, s3;
	s6 =	simm.s32 @!p1 $0x1082;
	[sflag:s4] =	ssyncset.s32 $0xFFFFF086  }
0x25: {  	[simem:s6], [sflag:s4] =	dma.local [hbm:s3], $0xF7A  }
0x26: {  	[smem:$0x3F9F] =	sst s1;
	(tag) =	ssettag s2;
	_ =	strace s9  }
0x27: {  	s1 =	sld [smem:$0x3FAF]  }
0x28: {  	s2 =	sld [smem:$0x3FB0]  }
0x29: {  	s4 =	sld [smem:$0x3FB2]  }
0x2a: {  	p0 =	seq.s32 s5, $0x0;
	s5 =	sld [smem:$0x3FB3]  }
0x2b: {  	s6 =	sld [smem:$0x3FB4]  }
0x2c: {  	s7 =	sld [smem:$0x3FB5]  }
0x2d: {  	s3 =	simm.s32 $0x108;
	s8 =	sld [smem:$0x3FB6]  }
0x2e: {  	s3 =	simm.s32 @!p0 $0x1082;
	s9 =	sld [smem:$0x3FB7]  }
0x2f: {  	lr =	sadd.s32 s0, s3;
	s0 =	sld [smem:$0x3FAE]  }
0x30: {  	s3 =	sld [smem:$0x3FB1]  }
0x31: {  	[smem:$0x3FBA] =	sst s10  }
0x32: {  	s10 =	sld [smem:$0x3FB8];
	_ =	sdelay $0x3  }
0x33: {  	p0 =	seq.s32 s10, $0x1;
	s10 =	sld [smem:$0x3FBA];
	_ =	sdelay $0x3  }
0x34: {  	[smem:$0x3FBA] =	sst s10  }
0x35: {  	s10 =	sld [smem:$0x3FB9];
	_ =	sdelay $0x3  }
0x36: {  	p1 =	seq.s32 s10, $0x1;
	s10 =	sld [smem:$0x3FBA];
	_ =	sdelay $0x3  }
0x37: {  	[smem:$0x3FBA] =	sst s10  }
0x38: {  	s10 =	sld [smem:$0x3FBB]  }
0x39: {  	_ = 	snop;
	(pc) =	sbr.ind lr, $3  }
0x3a: {  	_ = 	snop  }
0x3b: {  	_ = 	snop  }
0x3c: {  	p2 =	seq.s32 s10, $0x1;
	s10 =	sld [smem:$0x3FBA]  }
0x3d: {  	_ =	shalt  }
0x3e: {  	_ =	shalt  }
0x3f: {  	_ =	shalt  }
0x40: {  	_ =	shalt  }
0x41: {  	_ =	shalt  }
0x42: {  	_ =	shalt  }
0x43: {  	_ =	shalt  }
0x44: {  	_ =	shalt  }
0x45: {  	_ =	shalt  }
0x46: {  	_ =	shalt  }
0x47: {  	_ =	shalt  }
0x48: {  	_ =	shalt  }
0x49: {  	_ =	shalt  }
0x4a: {  	_ =	shalt  }
0x4b: {  	_ =	shalt  }
0x4c: {  	_ =	shalt  }
0x4d: {  	_ =	shalt  }
0x4e: {  	_ =	shalt  }
0x4f: {  	_ =	shalt  }
0x50: {  	_ =	shalt  }
0x51: {  	_ =	shalt  }
0x52: {  	_ =	shalt  }
0x53: {  	_ =	shalt  }
0x54: {  	_ =	shalt  }
0x55: {  	_ =	shalt  }
0x56: {  	_ =	shalt  }
0x57: {  	_ =	shalt  }
0x58: {  	_ =	shalt  }
0x59: {  	_ =	shalt  }
0x5a: {  	_ =	shalt  }
0x5b: {  	_ =	shalt  }
0x5c: {  	_ =	shalt  }
0x5d: {  	_ =	shalt  }
0x5e: {  	_ =	shalt  }
0x5f: {  	_ =	shalt  }
0x60: {  	_ =	shalt  }
0x61: {  	_ =	shalt  }
0x62: {  	_ =	shalt  }
0x63: {  	_ =	shalt  }
0x64: {  	_ =	shalt  }
0x65: {  	_ =	shalt  }
0x66: {  	_ =	shalt  }
0x67: {  	_ =	shalt  }
0x68: {  	_ =	shalt  }
0x69: {  	_ =	shalt  }
0x6a: {  	_ =	shalt  }
0x6b: {  	_ =	shalt  }
0x6c: {  	_ =	shalt  }
0x6d: {  	_ =	shalt  }
0x6e: {  	_ =	shalt  }
0x6f: {  	_ =	shalt  }
0x70: {  	_ =	shalt  }
0x71: {  	_ =	shalt  }
0x72: {  	_ =	shalt  }
0x73: {  	_ =	shalt  }
0x74: {  	_ =	shalt  }
0x75: {  	_ =	shalt  }
0x76: {  	_ =	shalt  }
0x77: {  	_ =	shalt  }
0x78: {  	_ =	shalt  }
0x79: {  	_ =	shalt  }
0x7a: {  	_ =	shalt  }
0x7b: {  	_ =	shalt  }
0x7c: {  	_ =	shalt  }
0x7d: {  	_ =	shalt  }
0x7e: {  	_ =	shalt  }
0x7f: {  	_ =	shalt  }
0x80: {  	_ =	shalt  }
0x81: {  	_ =	shalt  }
0x82: {  	_ =	shalt  }
0x83: {  	_ =	shalt  }
0x84: {  	_ =	shalt  }
0x85: {  	_ =	shalt  }
0x86: {  	_ =	shalt  }
0x87: {  	_ =	shalt  }
.Lfunc_end0:
.L_simem_size_0:
called_computation_lowered:
.L_overlay_start_0:
0x88: {  	s2 =	sld [smem:$0x3FD9]  }
0x89: {  	s3 =	sld [smem:$0x3FFE];
	_ =	sdelay $0x1  }
0x8a: {  	s1 =	srdreg.scid  }
0x8b: {  	s0 =	sand.u32 $0x1, s1  }
0x8c: {  	s17 =	sshll.u32 s0, $0xA;
	s2 =	sadd.s32 s3, s2  }
0x8d: {  	s2 =	sadd.s32 s2, s17  }
0x8e: {  	[smem:$0x3FC6] =	sst s2  }
0x8f: {  	_ = 	snop  }
0x90: {  	s2 =	sld [smem:$0x3FC8]  }
0x91: {  	s18 =	sld [smem:$0x3FD0];
	(tm) =	ssettm $0x1  }
0x92: {  	s4 =	sld [smem:$0x3FFB];
	_ =	sdelay $0x3  }
0x93: {  	_ =	strace s4  }
0x94: {  	s4 =	sld [smem:$0x3FFC];
	_ =	sdelay $0x3  }
0x95: {  	_ =	strace s4  }
0x96: {  	s4 =	sld [smem:$0x3FFD];
	_ =	sdelay $0x3  }
0x97: {  	_ =	strace s4  }
0x98: {  	_ =	strace $0x8FFFFFFF  }
0x99: {  	s19 =	sld [smem:$0x3FDB];
	_ =	sdelay $0x1  }
0x9a: {  	s5 =	simm.s32 $_scs_section_size  }
0x9b: {  	s6 =	simm.s32 $_size__tile_overlayer_lowered;
	s7 =	simm.s32 $_tile_overlayer_lowered  }
0x9c: {  	s22 =	simm.s32 $0x1BFF;
	s21 =	sshll.u32 s7, $0x1;
	s4 =	sadd.s32 s5, s19  }
0x9d: {  	s8 =	simm.s32 $0x0;
	s20 =	sshll.u32 s6, $0x1;
	s6 =	sadd.s32 s21, s4  }
0x9e: {  	[timem:s8], [sflag:s22] =	dma.local [hbm:s6], s20  }
0x9f: {  	_ =	swait.ge [sflag:s22], s20  }
0xa0: {  	s5 =	ssub.s32 $0x0, s20;
	[sflag:s22] =	ssyncset.done $0x0  }
0xa1: {  	[sflag:s22] =	ssyncadd.s32 s5;
	_ =	sdelay $0x1  }
0xa2: {  	s23 =	simm.s32 $0x1B8B  }
0xa3: {  	_ =	swait.ge [sflag:s23], $0x1  }
0xa4: {  	[sflag:s23] =	ssyncset.done $0x0  }
0xa5: {  	s25 =	simm.s32 $0x1B8E;
	s24 =	sld [smem:$0x3FFE];
	[sflag:s23] =	ssyncadd.s32 $0xFFFFFFFF  }
0xa6: {  	s26 =	simm.s32 $execute0_lowered;
	[smem:$0x3FD2] =	sst s25  }
0xa7: {  	s6 =	sshll.u32 s26, $0x1;
	_ =	strace $0x80000046;
	[dreg:$0x1] =	wrdreg $0xFFFFFFFF  }
0xa8: {  	s28 =	simm.s32 $_size_execute0_lowered;
	s4 =	sadd.s32 s4, s6;
	[dreg:$0x0] =	wrdreg $0x0  }
0xa9: {  	s6 =	sshll.u32 s28, $0x1;
	[dreg:$0x2] =	wrdreg s4  }
0xaa: {  	[dreg:$0x3] =	wrdreg s6  }
0xab: {  	[dreg:$0x4] =	wrdreg $0xC0  }
0xac: {  	_ =	task [dreg:s8], $0x5FFFF  }
0xad: {  	[dreg:$0x1] =	wrdreg $0xFFFFFFFF  }
0xae: {  	[dreg:$0x0] =	wrdreg $0x60  }
0xaf: {  	[dreg:$0x2] =	wrdreg s24  }
0xb0: {  	[dreg:$0x3] =	wrdreg s2  }
0xb1: {  	[dreg:$0x4] =	wrdreg s18  }
0xb2: {  	[dreg:$0x5] =	wrdreg $0x9  }
0xb3: {  	_ =	task.clear_ibuf [dreg:s8], $0x6FFFF;
	_ =	strace $0x90000046  }
0xb4: {  	s29 =	simm.s32 $0x9;
	_ =	strace $0x80000048  }
0xb5: {  	_ =	swait.ge [sflag:s29], $0x1  }
0xb6: {  	[sflag:s29] =	ssyncadd.s32 $0xFFFFFFFF  }
0xb7: {  	_ =	strace $0x90000048  }
0xb8: {  	_ =	sfence  }
0xb9: {  	s30 =	sld [smem:$0x0];
	_ =	sdelay $0x2  }
0xba: {  	s31 =	sshll.u32 s1, $0xD;
	s1 =	sshrl.u32 s1, $0x2  }
0xbb: {  	s3 =	sand.u32 $0x4000, s31;
	s1 =	sadd.s32 s1, s30  }
0xbc: {  	s0 =	sor.u32 s3, s0;
	s1 =	sshll.u32 s1, $0x11  }
0xbd: {  	s0 =	sor.u32 s1, s0  }
0xbe: {  	s0 =	sadd.s32 $0x8F2B, s0  }
0xbf: {  	[sflag:s0] =	ssyncadd.remote.s32 $0x1  }
0xc0: {  	_ =	sfence.sel $0xFFFF  }
0xc1: {  	[dreg:$0x0] =	wrdreg $0xFFFFFFFF;
	(pc) =	sbr.abs _section_cstart, $3  }
0xc2: {  	[dreg:$0x1] =	wrdreg $0xFFFFFFFF  }
0xc3: {  	_ =	task.clear_ibuf [dreg:s8], $0x2FFFF;
	_ =	strace $0x9FFFFFFF  }
0xc4: {  	(tm) =	ssettm $0x7FFFFFFF  }
0xc5: {  	_ =	shalt  }
tec
execute0_lowered:
.L_overlay_start_1:
0x0: {  	(tag) =	ssettag $0x1  }
0x1: {  	s0 =	srdreg.scid;
	s11 =	stileid.u32  }
0x2: {  	s6 =	rddreg [dreg:$0x0];
	s5 =	simm.s32 $0x0;
	s13 =	simm.s32 $0x3  }
0x3: {  	s16 =	simm.s32 $0xB000;
	s0 =	sand.u32 $0x1, s0;
	s1 =	sshll.u32 s11, $0x1  }
0x4: {  	s18 =	simm.s32 $0x2;
	s23 =	smul.u32 $0xFA, s11;
	s2 =	sor.u32 s0, s1  }
0x5: {  	s19 =	simm.s32 $0x0;
	[smem:$0x7FF] =	sst s5;
	s1 =	smul.u32 $0x7D, s2  }
0x6: {  	s10 =	ssub.s32 $0x2, s0;
	s0 =	smul.u32 $0x7D, s0;
	s2 =	sshll.u32 s2, $0xA  }
0x7: {  	s22 =	sshrl.u32 s10, $0x1;
	s2 =	sand.u32 $0xC00, s2;
	s3 =	sadd.s32 $0x7C, s1  }
0x8: {  	s12 =	sadd.s32 s0, s23;
	s8 =	sshll.u32 s1, $0x5;
	s4 =	sshrl.u32 s3, $0x3  }
0x9: {  	s24 =	sor.u32 $0x80, s2;
	s25 =	sor.u32 $0x100, s2;
	s7 =	smul.u32 $0x147B, s4  }
0xa: {  	s14 =	sor.u32 $0x180, s2;
	s15 =	sor.u32 $0x200, s2;
	s17 =	sor.u32 $0x280, s2  }
0xb: {  	s26 =	sor.u32 $0x300, s2;
	s28 =	sor.u32 $0x380, s2;
	s7 =	sshrl.u32 s7, $0x11  }
0xc: {  	s31 =	sadd.s32 $0x1, s12;
	s9 =	sshrl.u32 s3, $0x2;
	s7 =	smul.u32 $0x32, s7  }
0xd: {  	s8 =	sand.u32 $0x1FF80, s8;
	s3 =	smul.u32 $0x147B, s3;
	v3 =	vmov s14;
	s14 =	simm.s32 $0x8000  }
0xe: {  	v4 =	vmov s15;
	s15 =	simm.s32 $0x9000;
	v5 =	vmov s17;
	s17 =	simm.s32 $0x1;
	s7 =	ssub.s32 s9, s7  }
0xf: {  	s4 =	rddreg [dreg:$0x2];
	_ =	strace $0x80000047;
	s7 =	smul.u32 $0x14, s7  }
0x10: {  	s6 =	sadd.s32 s8, s6;
	s8 =	ssub.s32 s10, s22;
	s3 =	sshrl.u32 s3, $0x14  }
0x11: {  	[dreg:$0x5] =	wrdreg s12;
	s6 =	sadd.s32 $0x400, s6;
	s3 =	sadd.s32 s3, s7  }
0x12: {  	[dreg:$0x4] =	wrdreg s6;
	s6 =	sshll.u32 s12, $0xA;
	s3 =	sand.u32 $0xFFFF, s3  }
0x13: {  	[dreg:$0x8] =	wrdreg s31;
	s29 =	sadd.s32 $0x1F000, s6;
	s3 =	sshll.u32 s3, $0xC  }
0x14: {  	s6 =	sand.u32 $0x7FF000, s6;
	s10 =	sand.u32 $0xFFF000, s29;
	s3 =	sor.u32 s2, s3  }
0x15: {  	s8 =	smax.u32 s8, $0x1;
	s30 =	ssub.s32 s10, s6;
	s3 =	sadd.s32 s4, s3  }
0x16: {  	v0 =	vmov s2;
	v1 =	vmov s24;
	s6 =	ssub.s32 $0x40, s6;
	[dreg:$0x6] =	wrdreg s3;
	s3 =	sor.u32 $0x40, s30  }
0x17: {  	v2 =	vmov s25;
	v6 =	vmov s26;
	v7 =	vmov s28;
	[dreg:$0x7] =	wrdreg s8;
	s10 =	sshra.s32 s6, $0x2;
	s12 =	sshra.s32 s3, $0x2  }
.LBB2_1:
0x18: {  	s0 =	rddreg [dreg:$0x4]  }
0x19: {  	[tilespmem:s5], [sflag:$0x3] =	stream.linear.gather [hbm4b:s0+s5], $0x8000, $0x38;
	[tilespmem:$0xD000] =	vst v63  }
0x1a: {  	_ =	swait.ge [sflag:s13], $0x8000  }
0x1b: {  	[sflag:s13] =	ssyncset.done $0x0  }
0x1c: {  	[sflag:s13] =	ssyncadd.s32 $0xFFFF8000  }
0x1d: {  	s31 =	rddreg [dreg:$0x1]  }
0x1e: {  	[tilespmem:s14], [sflag:$0x3] =	stream.linear.gather [hbm4b:s31+s5], $0x1000, $0x38;
	[tilespmem:$0xD000] =	vst v63  }
0x1f: {  	_ =	swait.ge [sflag:s13], $0x1000  }
0x20: {  	[sflag:s13] =	ssyncset.done $0x0;
	s20 =	rddreg [dreg:$0x8]  }
0x21: {  	s22 =	simm.s32 $0x0;
	s21 =	rddreg [dreg:$0x5];
	[sflag:s13] =	ssyncadd.s32 $0xFFFFF000  }
.LBB2_2:
0x22: {  	p0 =	seq.s32 s22, $0x0  }
0x23: {  	s0 =	simm.s32 @!p0 $0x1  }
0x24: {  	s2 =	sshll.u32 s21, $0x8;
	_ =	swait.ge @!p0 [sflag:s0], $0x2000  }
0x25: {  	s2 =	sand.u32 $0x3FFFFC00, s2;
	[sflag:s0] =	ssyncset.done @!p0 $0x0  }
0x26: {  	s3 =	sadd.s32 s2, s10;
	[sflag:s0] =	ssyncadd.s32 @!p0 $0xFFFFE000  }
0x27: {  	s7 =	sshll.u32 s22, $0x1;
	v21 =	vld [tilespmem:s3+$0xFFFFFFF0]  }
0x28: {  	s23 =	sadd.s32 s1, s7;
	v22 =	vld [tilespmem:s3+$0x0]  }
0x29: {  	s24 =	sand.u32 $0x3, s23  }
0x2a: {  	s2 =	sshll.u32 s24, $0xA  }
0x2b: {  	v11 =	vmov s2  }
0x2c: {  	v8 =	vadd.s32 v11, v21  }
0x2d: {  	v9 =	vadd.s32 v11, v22;
	_ =	sdelay $0x3  }
0x2e: {  	v10 =	vld.idx.msk [tilespmem:v8+s14+$0x0], $0xffff  }
0x2f: {  	s3 =	sadd.s32 $0x20, s3;
	v15 =	vld.idx.msk [tilespmem:v9+s14+$0x0], $0xffff  }
0x30: {  	s8 =	sor.u32 $0x80, s2;
	v8 =	vld [tilespmem:s3+$0xFFFFFFF0]  }
0x31: {  	v13 =	vmov s8;
	v9 =	vld [tilespmem:s3+$0x0]  }
0x32: {  	s9 =	simm.s32 $0x0;
	v12 =	vadd.s32 v13, v21  }
0x33: {  	s7 =	simm.s32 $0x0;
	s0 =	sand.u32 $0x1C00, s9;
	v16 =	vadd.s32 v13, v22  }
0x34: {  	s6 =	simm.s32 $0x10;
	s7 =	sand.u32 $0x60, s7;
	s8 =	sadd.s32 $0x9000, s0  }
0x35: {  	s6 =	sand.u32 $0x70, s6;
	s0 =	sor.u32 s7, s8;
	v18 =	vadd.s32 v11, v8  }
0x36: {  	s11 =	sor.u32 $0x100, s2;
	s28 =	sor.u32 s6, s8;
	[tilespmem:s0+$0x0] =	vst v10;
	v19 =	vadd.s32 v11, v9  }
0x37: {  	v14 =	vmov s11;
	[tilespmem:s28+$0x0] =	vst v15;
	v10 =	vld.idx.msk [tilespmem:v12+s14+$0x0], $0xffff  }
0x38: {  	v12 =	vadd.s32 v14, v21;
	v16 =	vld.idx.msk [tilespmem:v16+s14+$0x0], $0xffff  }
0x39: {  	v17 =	vadd.s32 v14, v22  }
0x3a: {  	v18 =	vld.idx.msk [tilespmem:v18+s14+$0x0], $0xffff  }
0x3b: {  	s25 =	sor.u32 $0x180, s2;
	s11 =	simm.s32 $0x100;
	v23 =	vadd.s32 v13, v8;
	v19 =	vld.idx.msk [tilespmem:v19+s14+$0x0], $0xffff  }
0x3c: {  	s26 =	sor.u32 $0x200, s2;
	s7 =	sand.u32 $0x1C00, s11;
	v15 =	vmov s25;
	s25 =	simm.s32 $0x20;
	v24 =	vadd.s32 v13, v9;
	[tilespmem:s0+$0x80] =	vst v10  }
0x3d: {  	s9 =	simm.s32 $0x30;
	s7 =	sadd.s32 $0x9000, s7;
	s8 =	sand.u32 $0x60, s25;
	[tilespmem:s28+$0x80] =	vst v16;
	v10 =	vld.idx.msk [tilespmem:v12+s14+$0x0], $0xffff  }
0x3e: {  	s25 =	sor.u32 s8, s7;
	v16 =	vmov s26;
	s26 =	sand.u32 $0x70, s9;
	v12 =	vld.idx.msk [tilespmem:v17+s14+$0x0], $0xffff  }
0x3f: {  	v17 =	vadd.s32 v15, v21;
	s26 =	sor.u32 s26, s7;
	[tilespmem:s25+$0x0] =	vst v18  }
0x40: {  	v20 =	vadd.s32 v15, v22;
	[tilespmem:s26+$0x0] =	vst v19;
	v23 =	vld.idx.msk [tilespmem:v23+s14+$0x0], $0xffff  }
0x41: {  	s3 =	sadd.s32 $0x20, s3;
	v19 =	vld.idx.msk [tilespmem:v24+s14+$0x0], $0xffff  }
0x42: {  	[tilespmem:s0+$0x100] =	vst v10;
	v10 =	vld [tilespmem:s3+$0xFFFFFFF0]  }
0x43: {  	[tilespmem:s28+$0x100] =	vst v12;
	v12 =	vld [tilespmem:s3+$0x0]  }
0x44: {  	v17 =	vld.idx.msk [tilespmem:v17+s14+$0x0], $0xffff  }
0x45: {  	v24 =	vadd.s32 v14, v8;
	v18 =	vld.idx.msk [tilespmem:v20+s14+$0x0], $0xffff  }
0x46: {  	v20 =	vadd.s32 v16, v21  }
0x47: {  	v25 =	vadd.s32 v16, v22  }
0x48: {  	v26 =	vadd.s32 v14, v9;
	[tilespmem:s25+$0x80] =	vst v23  }
0x49: {  	v28 =	vadd.s32 v11, v12;
	[tilespmem:s0+$0x180] =	vst v17  }
0x4a: {  	v24 =	vld.idx.msk [tilespmem:v24+s14+$0x0], $0xffff;
	[tilespmem:s28+$0x180] =	vst v18;
	v18 =	vadd.s32 v11, v10  }
0x4b: {  	s7 =	sor.u32 $0x280, s2;
	v20 =	vld.idx.msk [tilespmem:v20+s14+$0x0], $0xffff  }
0x4c: {  	v30 =	vadd.s32 v15, v8;
	[tilespmem:s26+$0x80] =	vst v19;
	v17 =	vmov s7;
	v25 =	vld.idx.msk [tilespmem:v25+s14+$0x0], $0xffff  }
0x4d: {  	v26 =	vld.idx.msk [tilespmem:v26+s14+$0x0], $0xffff;
	v27 =	vadd.s32 v17, v21  }
0x4e: {  	s9 =	simm.s32 $0x200;
	v23 =	vadd.s32 v17, v22;
	v28 =	vld.idx.msk [tilespmem:v28+s14+$0x0], $0xffff  }
0x4f: {  	s8 =	sor.u32 $0x300, s2;
	s6 =	sand.u32 $0x1C00, s9;
	s9 =	sadd.s32 $0x20, s3;
	[tilespmem:s25+$0x100] =	vst v24;
	v24 =	vadd.s32 v13, v12;
	v29 =	vld.idx.msk [tilespmem:v18+s14+$0x0], $0xffff  }
0x50: {  	v19 =	vmov s8;
	s8 =	simm.s32 $0x50;
	v18 =	vld [tilespmem:s9+$0xFFFFFFF0];
	[tilespmem:s0+$0x200] =	vst v20;
	v20 =	vadd.s32 v15, v9  }
0x51: {  	s6 =	sadd.s32 $0x9000, s6;
	s3 =	sand.u32 $0x70, s8;
	v30 =	vld.idx.msk [tilespmem:v30+s14+$0x0], $0xffff;
	[tilespmem:s28+$0x200] =	vst v25;
	v25 =	vadd.s32 v13, v10  }
0x52: {  	s11 =	simm.s32 $0x40;
	s30 =	sor.u32 s3, s6;
	v27 =	vld.idx.msk [tilespmem:v27+s14+$0x0], $0xffff  }
0x53: {  	v31 =	vadd.s32 v19, v21;
	s7 =	sand.u32 $0x60, s11;
	v23 =	vld.idx.msk [tilespmem:v23+s14+$0x0], $0xffff;
	[tilespmem:s30+$0x0] =	vst v28  }
0x54: {  	v32 =	vadd.s32 v19, v22;
	s29 =	sor.u32 s7, s6;
	[tilespmem:s26+$0x100] =	vst v26;
	v24 =	vld.idx.msk [tilespmem:v24+s14+$0x0], $0xffff  }
0x55: {  	s2 =	sor.u32 $0x380, s2;
	[tilespmem:s29+$0x0] =	vst v29;
	v29 =	vadd.s32 v16, v8;
	v26 =	vld.idx.msk [tilespmem:v20+s14+$0x0], $0xffff  }
0x56: {  	[tilespmem:s25+$0x180] =	vst v30;
	v30 =	vadd.s32 v14, v12;
	v25 =	vld.idx.msk [tilespmem:v25+s14+$0x0], $0xffff;
	v20 =	vmov s2  }
0x57: {  	[tilespmem:s0+$0x280] =	vst v27;
	v27 =	vadd.s32 v16, v9;
	v63 =	vadd.s32 v20, v21;
	v21 =	vld [tilespmem:s9+$0x0]  }
0x58: {  	[tilespmem:s28+$0x280] =	vst v23;
	v23 =	vadd.s32 v14, v10;
	v31 =	vld.idx.msk [tilespmem:v31+s14+$0x0], $0xffff  }
0x59: {  	v28 =	vld.idx.msk [tilespmem:v32+s14+$0x0], $0xffff  }
0x5a: {  	v22 =	vadd.s32 v20, v22;
	v33 =	vld.idx.msk [tilespmem:v29+s14+$0x0], $0xffff;
	[tilespmem:s30+$0x80] =	vst v24  }
0x5b: {  	[tilespmem:s26+$0x180] =	vst v26;
	v26 =	vadd.s32 v11, v18;
	v29 =	vld.idx.msk [tilespmem:v30+s14+$0x0], $0xffff  }
0x5c: {  	[tilespmem:s29+$0x80] =	vst v25;
	v25 =	vadd.s32 v17, v8;
	v34 =	vld.idx.msk [tilespmem:v27+s14+$0x0], $0xffff  }
0x5d: {  	v36 =	vadd.s32 v17, v9;
	v35 =	vld.idx.msk [tilespmem:v23+s14+$0x0], $0xffff;
	[tilespmem:s0+$0x300] =	vst v31  }
0x5e: {  	[tilespmem:s28+$0x300] =	vst v28;
	v28 =	vadd.s32 v11, v21;
	v37 =	vld.idx.msk [tilespmem:v63+s14+$0x0], $0xffff  }
0x5f: {  	v27 =	vld.idx.msk [tilespmem:v22+s14+$0x0], $0xffff  }
0x60: {  	s8 =	simm.s32 $0x300;
	v32 =	vadd.s32 v15, v10;
	[tilespmem:s25+$0x200] =	vst v33;
	v31 =	vld.idx.msk [tilespmem:v26+s14+$0x0], $0xffff  }
0x61: {  	s11 =	sshll.u32 s20, $0x8;
	s3 =	simm.s32 $0x70;
	s6 =	simm.s32 $0x6;
	v30 =	vadd.s32 v15, v12;
	v23 =	vadd.s32 v19, v9;
	v25 =	vld.idx.msk [tilespmem:v25+s14+$0x0], $0xffff;
	[tilespmem:s26+$0x200] =	vst v34  }
0x62: {  	s7 =	simm.s32 $0x60;
	s2 =	sand.u32 $0x3FFFFC00, s11;
	s11 =	sand.u32 $0x1C00, s8;
	v24 =	vadd.s32 v19, v21;
	[tilespmem:s29+$0x100] =	vst v35;
	v34 =	vadd.s32 v13, v18;
	v26 =	vld.idx.msk [tilespmem:v36+s14+$0x0], $0xffff  }
0x63: {  	s31 =	sadd.s32 s2, s10;
	s2 =	sshrl.u32 s23, $0x2;
	s9 =	sadd.s32 $0x20, s9;
	v22 =	vadd.s32 v19, v12;
	v33 =	vld.idx.msk [tilespmem:v28+s14+$0x0], $0xffff;
	v28 =	vadd.s32 v19, v8;
	[tilespmem:s0+$0x380] =	vst v37  }
.LBB2_3:
0x64: {  	v35 =	vld [tilespmem:s9+$0xFFFFFFF0];
	s6 =	sadd.s32 $0x2, s6;
	s0 =	sand.u32 $0x60, s7;
	s7 =	sadd.s32 $0x9000, s11;
	[tilespmem:s28+$0x380] =	vst v27  }
0x65: {  	v27 =	vadd.s32 v13, v21;
	p1 =	slt.u32 s6, $0x3E;
	s11 =	sor.u32 s0, s7;
	v32 =	vld.idx.msk [tilespmem:v32+s14+$0x0], $0xffff;
	[tilespmem:s30+$0x100] =	vst v29;
	s0 =	smov.u32 s25  }
0x66: {  	s28 =	smov.u32 s26;
	s25 =	smov.u32 s29;
	[tilespmem:s11+$0x0] =	vst v31;
	v29 =	vld.idx.msk [tilespmem:v30+s14+$0x0], $0xffff;
	s29 =	smov.u32 s11  }
0x67: {  	s26 =	smov.u32 s30;
	s11 =	sand.u32 $0x70, s3;
	v31 =	vadd.s32 v16, v10;
	v30 =	vld.idx.msk [tilespmem:v34+s14+$0x0], $0xffff;
	[tilespmem:s0+$0x280] =	vst v25  }
0x68: {  	s30 =	sor.u32 s11, s7;
	v25 =	vadd.s32 v16, v12;
	v28 =	vld.idx.msk [tilespmem:v28+s14+$0x0], $0xffff;
	[tilespmem:s28+$0x280] =	vst v26  }
0x69: {  	v26 =	vadd.s32 v14, v18;
	[tilespmem:s30+$0x0] =	vst v33;
	v33 =	vld.idx.msk [tilespmem:v23+s14+$0x0], $0xffff;
	v23 =	vmov v22;
	v22 =	vmov v24  }
0x6a: {  	v24 =	vadd.s32 v20, v8;
	v8 =	vmovc v10;
	v10 =	vmov v18;
	v18 =	vmov v35;
	v27 =	vld.idx.msk [tilespmem:v27+s14+$0x0], $0xffff  }
0x6b: {  	[tilespmem:s25+$0x180] =	vst v32;
	v32 =	vadd.s32 v20, v9;
	v9 =	vmov v12;
	v12 =	vmov v21;
	v21 =	vld [tilespmem:s9+$0x0]  }
0x6c: {  	v34 =	vadd.s32 v14, v12;
	v35 =	vld.idx.msk [tilespmem:v31+s14+$0x0], $0xffff;
	[tilespmem:s26+$0x180] =	vst v29  }
0x6d: {  	v31 =	vadd.s32 v11, v18;
	[tilespmem:s29+$0x80] =	vst v30;
	v36 =	vld.idx.msk [tilespmem:v25+s14+$0x0], $0xffff  }
0x6e: {  	v25 =	vadd.s32 v17, v8;
	v26 =	vld.idx.msk [tilespmem:v26+s14+$0x0], $0xffff;
	[tilespmem:s0+$0x300] =	vst v28  }
0x6f: {  	v28 =	vadd.s32 v17, v9;
	v37 =	vld.idx.msk [tilespmem:v24+s14+$0x0], $0xffff;
	[tilespmem:s28+$0x300] =	vst v33  }
0x70: {  	v33 =	vadd.s32 v11, v21;
	v24 =	vadd.s32 v19, v21;
	[tilespmem:s30+$0x80] =	vst v27;
	v27 =	vld.idx.msk [tilespmem:v32+s14+$0x0], $0xffff  }
.Ltmp0:
0x71: {  	v29 =	vld.idx.msk [tilespmem:v34+s14+$0x0], $0xffff;
	(pc) =	sbr.rel @p1 .LBB2_3-.Ltmp0, $4  }
0x72: {  	v32 =	vadd.s32 v15, v10;
	v31 =	vld.idx.msk [tilespmem:v31+s14+$0x0], $0xffff;
	[tilespmem:s25+$0x200] =	vst v35  }
0x73: {  	v30 =	vadd.s32 v15, v12;
	v25 =	vld.idx.msk [tilespmem:v25+s14+$0x0], $0xffff;
	[tilespmem:s26+$0x200] =	vst v36  }
0x74: {  	s8 =	sadd.s32 $0x100, s8;
	s3 =	sadd.s32 $0x20, s3;
	v34 =	vadd.s32 v13, v18;
	[tilespmem:s29+$0x100] =	vst v26;
	v26 =	vld.idx.msk [tilespmem:v28+s14+$0x0], $0xffff  }
0x75: {  	s11 =	sand.u32 $0x1C00, s8;
	s7 =	sadd.s32 $0xFFFFFFF0, s3;
	s9 =	sadd.s32 $0x20, s9;
	v28 =	vadd.s32 v19, v8;
	v33 =	vld.idx.msk [tilespmem:v33+s14+$0x0], $0xffff;
	[tilespmem:s0+$0x380] =	vst v37  }
0x76: {  	v11 =	vadd.s32 v13, v21  }
0x77: {  	s0 =	sand.u32 $0x60, s7;
	s6 =	sadd.s32 $0x9000, s11  }
0x78: {  	s3 =	sand.u32 $0x70, s3;
	s0 =	sor.u32 s0, s6  }
0x79: {  	s3 =	sor.u32 s3, s6;
	[tilespmem:s0+$0x0] =	vst v31  }
0x7a: {  	v13 =	vld.idx.msk [tilespmem:v34+s14+$0x0], $0xffff;
	[tilespmem:s3+$0x0] =	vst v33  }
0x7b: {  	v31 =	vadd.s32 v14, v18;
	v11 =	vld.idx.msk [tilespmem:v11+s14+$0x0], $0xffff  }
0x7c: {  	v14 =	vadd.s32 v14, v21;
	_ =	sdelay $0x2  }
0x7d: {  	[tilespmem:s0+$0x80] =	vst v13  }
0x7e: {  	v13 =	vld.idx.msk [tilespmem:v31+s14+$0x0], $0xffff;
	[tilespmem:s3+$0x80] =	vst v11  }
0x7f: {  	v11 =	vld.idx.msk [tilespmem:v14+s14+$0x0], $0xffff;
	v14 =	vadd.s32 v15, v18  }
0x80: {  	v15 =	vadd.s32 v15, v21;
	_ =	sdelay $0x1  }
0x81: {  	[tilespmem:s30+$0x100] =	vst v29;
	v31 =	vld.idx.msk [tilespmem:v32+s14+$0x0], $0xffff  }
0x82: {  	v29 =	vld.idx.msk [tilespmem:v30+s14+$0x0], $0xffff;
	v30 =	vadd.s32 v16, v10;
	[tilespmem:s0+$0x100] =	vst v13  }
0x83: {  	v13 =	vadd.s32 v16, v12;
	v14 =	vld.idx.msk [tilespmem:v14+s14+$0x0], $0xffff;
	[tilespmem:s3+$0x100] =	vst v11  }
0x84: {  	v11 =	vld.idx.msk [tilespmem:v15+s14+$0x0], $0xffff;
	v15 =	vadd.s32 v16, v18  }
0x85: {  	v16 =	vadd.s32 v16, v21  }
0x86: {  	[tilespmem:s29+$0x180] =	vst v31  }
0x87: {  	[tilespmem:s30+$0x180] =	vst v29;
	v30 =	vld.idx.msk [tilespmem:v30+s14+$0x0], $0xffff  }
0x88: {  	v29 =	vadd.s32 v17, v10;
	v13 =	vld.idx.msk [tilespmem:v13+s14+$0x0], $0xffff;
	[tilespmem:s0+$0x180] =	vst v14  }
0x89: {  	v14 =	vadd.s32 v17, v12;
	v15 =	vld.idx.msk [tilespmem:v15+s14+$0x0], $0xffff;
	[tilespmem:s3+$0x180] =	vst v11  }
0x8a: {  	v11 =	vld.idx.msk [tilespmem:v16+s14+$0x0], $0xffff;
	v16 =	vadd.s32 v17, v18  }
0x8b: {  	[tilespmem:s28+$0x380] =	vst v27;
	v17 =	vadd.s32 v17, v21  }
0x8c: {  	[tilespmem:s29+$0x200] =	vst v30  }
0x8d: {  	v27 =	vld.idx.msk [tilespmem:v29+s14+$0x0], $0xffff;
	[tilespmem:s30+$0x200] =	vst v13  }
0x8e: {  	v13 =	vld.idx.msk [tilespmem:v14+s14+$0x0], $0xffff;
	v14 =	vadd.s32 v19, v10;
	[tilespmem:s0+$0x200] =	vst v15  }
0x8f: {  	v15 =	vld.idx.msk [tilespmem:v16+s14+$0x0], $0xffff;
	[tilespmem:s3+$0x200] =	vst v11  }
0x90: {  	[tilespmem:s25+$0x280] =	vst v25;
	v16 =	vadd.s32 v19, v18;
	v11 =	vld.idx.msk [tilespmem:v17+s14+$0x0], $0xffff  }
0x91: {  	[tilespmem:s26+$0x280] =	vst v26;
	v17 =	vld.idx.msk [tilespmem:v28+s14+$0x0], $0xffff  }
0x92: {  	v8 =	vadd.s32 v20, v8;
	[tilespmem:s29+$0x280] =	vst v27;
	v19 =	vld.idx.msk [tilespmem:v23+s14+$0x0], $0xffff  }
0x93: {  	v9 =	vadd.s32 v20, v9;
	v14 =	vld.idx.msk [tilespmem:v14+s14+$0x0], $0xffff;
	[tilespmem:s30+$0x280] =	vst v13  }
0x94: {  	v10 =	vadd.s32 v20, v10;
	v13 =	vld.idx.msk [tilespmem:v22+s14+$0x0], $0xffff;
	[tilespmem:s0+$0x280] =	vst v15  }
0x95: {  	v12 =	vadd.s32 v20, v12;
	v15 =	vld.idx.msk [tilespmem:v16+s14+$0x0], $0xffff;
	[tilespmem:s3+$0x280] =	vst v11  }
0x96: {  	s8 =	smulhi.u32 $0x51EB852, s2;
	[tilespmem:s25+$0x300] =	vst v17;
	v16 =	vadd.s32 v20, v18;
	v11 =	vld.idx.msk [tilespmem:v24+s14+$0x0], $0xffff  }
0x97: {  	[tilespmem:s26+$0x300] =	vst v19;
	v17 =	vadd.s32 v20, v21;
	v8 =	vld.idx.msk [tilespmem:v8+s14+$0x0], $0xffff  }
0x98: {  	s6 =	smul.u32 $0x32, s8;
	v9 =	vld.idx.msk [tilespmem:v9+s14+$0x0], $0xffff;
	[tilespmem:s29+$0x300] =	vst v14  }
0x99: {  	v10 =	vld.idx.msk [tilespmem:v10+s14+$0x0], $0xffff;
	[tilespmem:s30+$0x300] =	vst v13  }
0x9a: {  	s11 =	smulhi.u32 $0x51EB851F, s23;
	s9 =	ssub.s32 s2, s6;
	v12 =	vld.idx.msk [tilespmem:v12+s14+$0x0], $0xffff;
	[tilespmem:s0+$0x300] =	vst v15  }
0x9b: {  	s2 =	smul.u32 $0x14, s9;
	v13 =	vld.idx.msk [tilespmem:v16+s14+$0x0], $0xffff;
	[tilespmem:s3+$0x300] =	vst v11  }
0x9c: {  	s6 =	sshrl.u32 s11, $0x6;
	[tilespmem:s25+$0x380] =	vst v8;
	v8 =	vld.idx.msk [tilespmem:v17+s14+$0x0], $0xffff  }
0x9d: {  	s2 =	sadd.s32 s6, s2;
	[tilespmem:s26+$0x380] =	vst v9  }
0x9e: {  	s7 =	sshll.u32 s24, $0xD;
	s2 =	sshll.u32 s2, $0xF;
	[tilespmem:s29+$0x380] =	vst v10  }
0x9f: {  	s2 =	sor.u32 s7, s2;
	[tilespmem:s30+$0x380] =	vst v12  }
0xa0: {  	s8 =	sshrl.u32 s2, $0x3;
	[tilespmem:s0+$0x380] =	vst v13  }
0xa1: {  	s0 =	sadd.s32 s4, s8;
	[tilespmem:s3+$0x380] =	vst v8  }
0xa2: {  	[hbm4b:s0+s5] =	stream.linear.scatter [tilespmem:s15], [sflag:$0x1], $0x2000, $0x38;
	[tilespmem:$0xD000] =	vst v63  }
0xa3: {  	s0 =	simm.s32 @!p0 $0x2  }
0xa4: {  	_ =	swait.ge @!p0 [sflag:s0], $0x2000  }
0xa5: {  	[sflag:s0] =	ssyncset.done @!p0 $0x0  }
0xa6: {  	[sflag:s0] =	ssyncadd.s32 @!p0 $0xFFFFE000  }
0xa7: {  	v21 =	vld [tilespmem:s31+$0xFFFFFFF0]  }
0xa8: {  	s24 =	sadd.s32 $0x1, s23;
	v22 =	vld [tilespmem:s31+$0x0]  }
0xa9: {  	s23 =	sand.u32 $0x3, s24  }
0xaa: {  	s2 =	sshll.u32 s23, $0xA  }
0xab: {  	v11 =	vmov s2  }
0xac: {  	v8 =	vadd.s32 v11, v21  }
0xad: {  	v9 =	vadd.s32 v11, v22;
	_ =	sdelay $0x3  }
0xae: {  	v10 =	vld.idx.msk [tilespmem:v8+s14+$0x0], $0xffff  }
0xaf: {  	s7 =	sadd.s32 $0x20, s31;
	v15 =	vld.idx.msk [tilespmem:v9+s14+$0x0], $0xffff  }
0xb0: {  	s9 =	sor.u32 $0x80, s2;
	v8 =	vld [tilespmem:s7+$0xFFFFFFF0]  }
0xb1: {  	v13 =	vmov s9;
	v9 =	vld [tilespmem:s7+$0x0]  }
0xb2: {  	s11 =	simm.s32 $0x0;
	v12 =	vadd.s32 v13, v21  }
0xb3: {  	s26 =	simm.s32 $0x0;
	s0 =	sand.u32 $0x1C00, s11;
	v16 =	vadd.s32 v13, v22  }
0xb4: {  	s25 =	simm.s32 $0x10;
	s6 =	sand.u32 $0x60, s26;
	s8 =	sadd.s32 $0xB000, s0  }
0xb5: {  	s3 =	sand.u32 $0x70, s25;
	s0 =	sor.u32 s6, s8;
	v18 =	vadd.s32 v11, v8  }
0xb6: {  	s31 =	sor.u32 $0x100, s2;
	s28 =	sor.u32 s3, s8;
	[tilespmem:s0+$0x0] =	vst v10;
	v19 =	vadd.s32 v11, v9  }
0xb7: {  	v14 =	vmov s31;
	[tilespmem:s28+$0x0] =	vst v15;
	v10 =	vld.idx.msk [tilespmem:v12+s14+$0x0], $0xffff  }
0xb8: {  	v12 =	vadd.s32 v14, v21;
	v16 =	vld.idx.msk [tilespmem:v16+s14+$0x0], $0xffff  }
0xb9: {  	v17 =	vadd.s32 v14, v22  }
0xba: {  	v18 =	vld.idx.msk [tilespmem:v18+s14+$0x0], $0xffff  }
0xbb: {  	s25 =	simm.s32 $0x100;
	v23 =	vadd.s32 v13, v8;
	v19 =	vld.idx.msk [tilespmem:v19+s14+$0x0], $0xffff  }
0xbc: {  	s26 =	simm.s32 $0x20;
	s9 =	sor.u32 $0x180, s2;
	s6 =	sand.u32 $0x1C00, s25;
	v24 =	vadd.s32 v13, v9;
	[tilespmem:s0+$0x80] =	vst v10  }
0xbd: {  	s8 =	sand.u32 $0x60, s26;
	s6 =	sadd.s32 $0xB000, s6;
	v15 =	vmov s9;
	s9 =	simm.s32 $0x30;
	[tilespmem:s28+$0x80] =	vst v16;
	v10 =	vld.idx.msk [tilespmem:v12+s14+$0x0], $0xffff  }
0xbe: {  	s25 =	sor.u32 s8, s6;
	s31 =	sand.u32 $0x70, s9;
	v12 =	vld.idx.msk [tilespmem:v17+s14+$0x0], $0xffff  }
0xbf: {  	s26 =	sor.u32 s31, s6;
	v17 =	vadd.s32 v15, v21;
	[tilespmem:s25+$0x0] =	vst v18  }
0xc0: {  	v20 =	vadd.s32 v15, v22;
	[tilespmem:s26+$0x0] =	vst v19;
	v23 =	vld.idx.msk [tilespmem:v23+s14+$0x0], $0xffff  }
0xc1: {  	s7 =	sadd.s32 $0x20, s7;
	v19 =	vld.idx.msk [tilespmem:v24+s14+$0x0], $0xffff  }
0xc2: {  	[tilespmem:s0+$0x100] =	vst v10;
	v10 =	vld [tilespmem:s7+$0xFFFFFFF0]  }
0xc3: {  	[tilespmem:s28+$0x100] =	vst v12;
	v12 =	vld [tilespmem:s7+$0x0]  }
0xc4: {  	s11 =	sor.u32 $0x200, s2;
	v17 =	vld.idx.msk [tilespmem:v17+s14+$0x0], $0xffff  }
0xc5: {  	v16 =	vmov s11;
	v24 =	vadd.s32 v14, v8;
	v18 =	vld.idx.msk [tilespmem:v20+s14+$0x0], $0xffff  }
0xc6: {  	v20 =	vadd.s32 v16, v21  }
0xc7: {  	v25 =	vadd.s32 v16, v22  }
0xc8: {  	v26 =	vadd.s32 v14, v9;
	[tilespmem:s25+$0x80] =	vst v23  }
0xc9: {  	v28 =	vadd.s32 v11, v12;
	[tilespmem:s0+$0x180] =	vst v17  }
0xca: {  	v24 =	vld.idx.msk [tilespmem:v24+s14+$0x0], $0xffff;
	[tilespmem:s28+$0x180] =	vst v18;
	v18 =	vadd.s32 v11, v10  }
0xcb: {  	s6 =	sor.u32 $0x280, s2;
	v20 =	vld.idx.msk [tilespmem:v20+s14+$0x0], $0xffff  }
0xcc: {  	v30 =	vadd.s32 v15, v8;
	[tilespmem:s26+$0x80] =	vst v19;
	v17 =	vmov s6;
	v25 =	vld.idx.msk [tilespmem:v25+s14+$0x0], $0xffff  }
0xcd: {  	v26 =	vld.idx.msk [tilespmem:v26+s14+$0x0], $0xffff;
	v27 =	vadd.s32 v17, v21  }
0xce: {  	s9 =	simm.s32 $0x200;
	v23 =	vadd.s32 v17, v22;
	v28 =	vld.idx.msk [tilespmem:v28+s14+$0x0], $0xffff  }
0xcf: {  	s3 =	sand.u32 $0x1C00, s9;
	s9 =	sadd.s32 $0x20, s7;
	s11 =	simm.s32 $0x40;
	[tilespmem:s25+$0x100] =	vst v24;
	v24 =	vadd.s32 v13, v12;
	v29 =	vld.idx.msk [tilespmem:v18+s14+$0x0], $0xffff  }
0xd0: {  	s31 =	simm.s32 $0x50;
	s3 =	sadd.s32 $0xB000, s3;
	s6 =	sand.u32 $0x60, s11;
	v18 =	vld [tilespmem:s9+$0xFFFFFFF0];
	[tilespmem:s0+$0x200] =	vst v20;
	v20 =	vadd.s32 v15, v9  }
0xd1: {  	s8 =	sor.u32 $0x300, s2;
	s29 =	sor.u32 s6, s3;
	s6 =	sand.u32 $0x70, s31;
	v30 =	vld.idx.msk [tilespmem:v30+s14+$0x0], $0xffff;
	[tilespmem:s28+$0x200] =	vst v25;
	v25 =	vadd.s32 v13, v10  }
0xd2: {  	v19 =	vmov s8;
	s30 =	sor.u32 s6, s3;
	v27 =	vld.idx.msk [tilespmem:v27+s14+$0x0], $0xffff  }
0xd3: {  	v31 =	vadd.s32 v19, v21;
	v23 =	vld.idx.msk [tilespmem:v23+s14+$0x0], $0xffff;
	[tilespmem:s30+$0x0] =	vst v28  }
0xd4: {  	v60 =	vadd.s32 v19, v22;
	[tilespmem:s26+$0x100] =	vst v26;
	v24 =	vld.idx.msk [tilespmem:v24+s14+$0x0], $0xffff  }
0xd5: {  	s2 =	sor.u32 $0x380, s2;
	[tilespmem:s29+$0x0] =	vst v29;
	v29 =	vadd.s32 v16, v8;
	v26 =	vld.idx.msk [tilespmem:v20+s14+$0x0], $0xffff  }
0xd6: {  	[tilespmem:s25+$0x180] =	vst v30;
	v30 =	vadd.s32 v14, v12;
	v25 =	vld.idx.msk [tilespmem:v25+s14+$0x0], $0xffff;
	v20 =	vmov s2  }
0xd7: {  	[tilespmem:s0+$0x280] =	vst v27;
	v27 =	vadd.s32 v16, v9;
	v61 =	vadd.s32 v20, v21;
	v21 =	vld [tilespmem:s9+$0x0]  }
0xd8: {  	[tilespmem:s28+$0x280] =	vst v23;
	v23 =	vadd.s32 v14, v10;
	v31 =	vld.idx.msk [tilespmem:v31+s14+$0x0], $0xffff  }
0xd9: {  	v28 =	vld.idx.msk [tilespmem:v60+s14+$0x0], $0xffff  }
0xda: {  	v22 =	vadd.s32 v20, v22;
	v62 =	vld.idx.msk [tilespmem:v29+s14+$0x0], $0xffff;
	[tilespmem:s30+$0x80] =	vst v24  }
0xdb: {  	[tilespmem:s26+$0x180] =	vst v26;
	v26 =	vadd.s32 v11, v18;
	v29 =	vld.idx.msk [tilespmem:v30+s14+$0x0], $0xffff  }
0xdc: {  	[tilespmem:s29+$0x80] =	vst v25;
	v25 =	vadd.s32 v17, v8;
	v63 =	vld.idx.msk [tilespmem:v27+s14+$0x0], $0xffff  }
0xdd: {  	v36 =	vadd.s32 v17, v9;
	v35 =	vld.idx.msk [tilespmem:v23+s14+$0x0], $0xffff;
	[tilespmem:s0+$0x300] =	vst v31  }
0xde: {  	[tilespmem:s28+$0x300] =	vst v28;
	v28 =	vadd.s32 v11, v21;
	v37 =	vld.idx.msk [tilespmem:v61+s14+$0x0], $0xffff  }
0xdf: {  	v27 =	vld.idx.msk [tilespmem:v22+s14+$0x0], $0xffff  }
0xe0: {  	v31 =	vadd.s32 v15, v10;
	[tilespmem:s25+$0x200] =	vst v62;
	v32 =	vld.idx.msk [tilespmem:v26+s14+$0x0], $0xffff  }
0xe1: {  	s8 =	simm.s32 $0x300;
	v34 =	vadd.s32 v13, v18;
	v30 =	vadd.s32 v15, v12;
	v25 =	vld.idx.msk [tilespmem:v25+s14+$0x0], $0xffff;
	[tilespmem:s26+$0x200] =	vst v63  }
0xe2: {  	s7 =	simm.s32 $0x60;
	s11 =	sand.u32 $0x1C00, s8;
	s6 =	simm.s32 $0x6;
	v23 =	vadd.s32 v19, v9;
	v24 =	vadd.s32 v19, v21;
	[tilespmem:s29+$0x100] =	vst v35;
	v26 =	vld.idx.msk [tilespmem:v36+s14+$0x0], $0xffff  }
0xe3: {  	s3 =	simm.s32 $0x70;
	s2 =	sshrl.u32 s24, $0x2;
	s9 =	sadd.s32 $0x20, s9;
	v22 =	vadd.s32 v19, v12;
	v33 =	vld.idx.msk [tilespmem:v28+s14+$0x0], $0xffff;
	v28 =	vadd.s32 v19, v8;
	[tilespmem:s0+$0x380] =	vst v37  }
.LBB2_5:
0xe4: {  	v35 =	vld [tilespmem:s9+$0xFFFFFFF0];
	s6 =	sadd.s32 $0x2, s6;
	s0 =	sand.u32 $0x60, s7;
	s7 =	sadd.s32 $0xB000, s11;
	[tilespmem:s28+$0x380] =	vst v27  }
0xe5: {  	v27 =	vadd.s32 v13, v21;
	p0 =	slt.u32 s6, $0x3E;
	s11 =	sor.u32 s0, s7;
	v31 =	vld.idx.msk [tilespmem:v31+s14+$0x0], $0xffff;
	[tilespmem:s30+$0x100] =	vst v29;
	s0 =	smov.u32 s25  }
0xe6: {  	s28 =	smov.u32 s26;
	s25 =	smov.u32 s29;
	[tilespmem:s11+$0x0] =	vst v32;
	v29 =	vld.idx.msk [tilespmem:v30+s14+$0x0], $0xffff;
	s29 =	smov.u32 s11  }
0xe7: {  	s26 =	smov.u32 s30;
	s11 =	sand.u32 $0x70, s3;
	v32 =	vadd.s32 v16, v10;
	v30 =	vld.idx.msk [tilespmem:v34+s14+$0x0], $0xffff;
	[tilespmem:s0+$0x280] =	vst v25  }
0xe8: {  	s30 =	sor.u32 s11, s7;
	v25 =	vadd.s32 v16, v12;
	v28 =	vld.idx.msk [tilespmem:v28+s14+$0x0], $0xffff;
	[tilespmem:s28+$0x280] =	vst v26  }
0xe9: {  	v26 =	vadd.s32 v14, v18;
	[tilespmem:s30+$0x0] =	vst v33;
	v33 =	vld.idx.msk [tilespmem:v23+s14+$0x0], $0xffff;
	v23 =	vmov v22;
	v22 =	vmov v24  }
0xea: {  	v24 =	vadd.s32 v20, v8;
	v8 =	vmovc v10;
	v10 =	vmov v18;
	v18 =	vmov v35;
	v27 =	vld.idx.msk [tilespmem:v27+s14+$0x0], $0xffff  }
0xeb: {  	[tilespmem:s25+$0x180] =	vst v31;
	v31 =	vadd.s32 v20, v9;
	v9 =	vmov v12;
	v12 =	vmov v21;
	v21 =	vld [tilespmem:s9+$0x0]  }
0xec: {  	v34 =	vadd.s32 v14, v12;
	v35 =	vld.idx.msk [tilespmem:v32+s14+$0x0], $0xffff;
	[tilespmem:s26+$0x180] =	vst v29  }
0xed: {  	v32 =	vadd.s32 v11, v18;
	[tilespmem:s29+$0x80] =	vst v30;
	v36 =	vld.idx.msk [tilespmem:v25+s14+$0x0], $0xffff  }
0xee: {  	v25 =	vadd.s32 v17, v8;
	v26 =	vld.idx.msk [tilespmem:v26+s14+$0x0], $0xffff;
	[tilespmem:s0+$0x300] =	vst v28  }
0xef: {  	v28 =	vadd.s32 v17, v9;
	v37 =	vld.idx.msk [tilespmem:v24+s14+$0x0], $0xffff;
	[tilespmem:s28+$0x300] =	vst v33  }
0xf0: {  	v33 =	vadd.s32 v11, v21;
	v24 =	vadd.s32 v19, v21;
	[tilespmem:s30+$0x80] =	vst v27;
	v27 =	vld.idx.msk [tilespmem:v31+s14+$0x0], $0xffff  }
.Ltmp1:
0xf1: {  	v29 =	vld.idx.msk [tilespmem:v34+s14+$0x0], $0xffff;
	(pc) =	sbr.rel @p0 .LBB2_5-.Ltmp1, $4  }
0xf2: {  	v31 =	vadd.s32 v15, v10;
	v32 =	vld.idx.msk [tilespmem:v32+s14+$0x0], $0xffff;
	[tilespmem:s25+$0x200] =	vst v35  }
0xf3: {  	v30 =	vadd.s32 v15, v12;
	v25 =	vld.idx.msk [tilespmem:v25+s14+$0x0], $0xffff;
	[tilespmem:s26+$0x200] =	vst v36  }
0xf4: {  	s8 =	sadd.s32 $0x100, s8;
	s3 =	sadd.s32 $0x20, s3;
	v34 =	vadd.s32 v13, v18;
	[tilespmem:s29+$0x100] =	vst v26;
	v26 =	vld.idx.msk [tilespmem:v28+s14+$0x0], $0xffff  }
0xf5: {  	s11 =	sand.u32 $0x1C00, s8;
	s7 =	sadd.s32 $0xFFFFFFF0, s3;
	s9 =	sadd.s32 $0x20, s9;
	v28 =	vadd.s32 v19, v8;
	v33 =	vld.idx.msk [tilespmem:v33+s14+$0x0], $0xffff;
	[tilespmem:s0+$0x380] =	vst v37  }
0xf6: {  	v11 =	vadd.s32 v13, v21  }
0xf7: {  	s0 =	sand.u32 $0x60, s7;
	s6 =	sadd.s32 $0xB000, s11  }
0xf8: {  	s3 =	sand.u32 $0x70, s3;
	s0 =	sor.u32 s0, s6  }
0xf9: {  	s3 =	sor.u32 s3, s6;
	[tilespmem:s0+$0x0] =	vst v32  }
0xfa: {  	v41 =	vld.idx.msk [tilespmem:v34+s14+$0x0], $0xffff;
	[tilespmem:s3+$0x0] =	vst v33  }
0xfb: {  	v42 =	vadd.s32 v14, v18;
	v11 =	vld.idx.msk [tilespmem:v11+s14+$0x0], $0xffff  }
0xfc: {  	v43 =	vadd.s32 v14, v21;
	_ =	sdelay $0x2  }
0xfd: {  	[tilespmem:s0+$0x80] =	vst v41  }
0xfe: {  	v13 =	vld.idx.msk [tilespmem:v42+s14+$0x0], $0xffff;
	[tilespmem:s3+$0x80] =	vst v11  }
0xff: {  	v44 =	vadd.s32 v15, v18;
	v11 =	vld.idx.msk [tilespmem:v43+s14+$0x0], $0xffff  }
0x100: {  	v45 =	vadd.s32 v15, v21;
	_ =	sdelay $0x1  }
0x101: {  	v31 =	vld.idx.msk [tilespmem:v31+s14+$0x0], $0xffff;
	[tilespmem:s30+$0x100] =	vst v29  }
0x102: {  	v46 =	vadd.s32 v16, v10;
	v29 =	vld.idx.msk [tilespmem:v30+s14+$0x0], $0xffff;
	[tilespmem:s0+$0x100] =	vst v13  }
0x103: {  	v47 =	vadd.s32 v16, v12;
	v14 =	vld.idx.msk [tilespmem:v44+s14+$0x0], $0xffff;
	[tilespmem:s3+$0x100] =	vst v11  }
0x104: {  	v48 =	vadd.s32 v16, v18;
	v11 =	vld.idx.msk [tilespmem:v45+s14+$0x0], $0xffff  }
0x105: {  	v49 =	vadd.s32 v16, v21  }
0x106: {  	[tilespmem:s29+$0x180] =	vst v31  }
0x107: {  	v30 =	vld.idx.msk [tilespmem:v46+s14+$0x0], $0xffff;
	[tilespmem:s30+$0x180] =	vst v29  }
0x108: {  	v50 =	vadd.s32 v17, v10;
	v13 =	vld.idx.msk [tilespmem:v47+s14+$0x0], $0xffff;
	[tilespmem:s0+$0x180] =	vst v14  }
0x109: {  	v51 =	vadd.s32 v17, v12;
	v15 =	vld.idx.msk [tilespmem:v48+s14+$0x0], $0xffff;
	[tilespmem:s3+$0x180] =	vst v11  }
0x10a: {  	v52 =	vadd.s32 v17, v18;
	v11 =	vld.idx.msk [tilespmem:v49+s14+$0x0], $0xffff  }
0x10b: {  	[tilespmem:s28+$0x380] =	vst v27;
	v53 =	vadd.s32 v17, v21  }
0x10c: {  	[tilespmem:s29+$0x200] =	vst v30  }
0x10d: {  	v54 =	vld.idx.msk [tilespmem:v50+s14+$0x0], $0xffff;
	[tilespmem:s30+$0x200] =	vst v13  }
0x10e: {  	v55 =	vadd.s32 v19, v10;
	v13 =	vld.idx.msk [tilespmem:v51+s14+$0x0], $0xffff;
	[tilespmem:s0+$0x200] =	vst v15  }
0x10f: {  	v15 =	vld.idx.msk [tilespmem:v52+s14+$0x0], $0xffff;
	[tilespmem:s3+$0x200] =	vst v11  }
0x110: {  	v56 =	vadd.s32 v19, v18;
	[tilespmem:s25+$0x280] =	vst v25;
	v11 =	vld.idx.msk [tilespmem:v53+s14+$0x0], $0xffff  }
0x111: {  	v57 =	vld.idx.msk [tilespmem:v28+s14+$0x0], $0xffff;
	[tilespmem:s26+$0x280] =	vst v26  }
0x112: {  	v8 =	vadd.s32 v20, v8;
	v58 =	vld.idx.msk [tilespmem:v23+s14+$0x0], $0xffff;
	[tilespmem:s29+$0x280] =	vst v54  }
0x113: {  	v9 =	vadd.s32 v20, v9;
	v14 =	vld.idx.msk [tilespmem:v55+s14+$0x0], $0xffff;
	[tilespmem:s30+$0x280] =	vst v13  }
0x114: {  	v59 =	vadd.s32 v20, v10;
	v13 =	vld.idx.msk [tilespmem:v22+s14+$0x0], $0xffff;
	[tilespmem:s0+$0x280] =	vst v15  }
0x115: {  	v60 =	vadd.s32 v20, v12;
	v15 =	vld.idx.msk [tilespmem:v56+s14+$0x0], $0xffff;
	[tilespmem:s3+$0x280] =	vst v11  }
0x116: {  	v61 =	vadd.s32 v20, v18;
	s9 =	smulhi.u32 $0x51EB852, s2;
	[tilespmem:s25+$0x300] =	vst v57;
	v11 =	vld.idx.msk [tilespmem:v24+s14+$0x0], $0xffff  }
0x117: {  	v62 =	vadd.s32 v20, v21;
	v8 =	vld.idx.msk [tilespmem:v8+s14+$0x0], $0xffff;
	[tilespmem:s26+$0x300] =	vst v58  }
0x118: {  	s6 =	smul.u32 $0x32, s9;
	v9 =	vld.idx.msk [tilespmem:v9+s14+$0x0], $0xffff;
	[tilespmem:s29+$0x300] =	vst v14  }
0x119: {  	v10 =	vld.idx.msk [tilespmem:v59+s14+$0x0], $0xffff;
	[tilespmem:s30+$0x300] =	vst v13  }
0x11a: {  	s28 =	smulhi.u32 $0x51EB851F, s24;
	s11 =	ssub.s32 s2, s6;
	v12 =	vld.idx.msk [tilespmem:v60+s14+$0x0], $0xffff;
	[tilespmem:s0+$0x300] =	vst v15  }
0x11b: {  	s2 =	smul.u32 $0x14, s11;
	v63 =	vld.idx.msk [tilespmem:v61+s14+$0x0], $0xffff;
	[tilespmem:s3+$0x300] =	vst v11  }
0x11c: {  	s22 =	sadd.s32 $0x1, s22;
	s6 =	sshrl.u32 s28, $0x6;
	[tilespmem:s25+$0x380] =	vst v8;
	v8 =	vld.idx.msk [tilespmem:v62+s14+$0x0], $0xffff  }
0x11d: {  	p0 =	sne.s32 s22, $0x3E;
	s2 =	sadd.s32 s6, s2;
	[tilespmem:s26+$0x380] =	vst v9  }
.Ltmp2:
0x11e: {  	s2 =	sshll.u32 s2, $0xF;
	[tilespmem:s29+$0x380] =	vst v10;
	s29 =	sshll.u32 s23, $0xD;
	(pc) =	sbr.rel @p0 .LBB2_2-.Ltmp2, $4  }
0x11f: {  	s2 =	sor.u32 s29, s2;
	[tilespmem:s30+$0x380] =	vst v12  }
0x120: {  	s31 =	sshrl.u32 s2, $0x3;
	[tilespmem:s0+$0x380] =	vst v63  }
0x121: {  	s21 =	sadd.s32 $0x2, s21;
	s20 =	sadd.s32 $0x2, s20;
	s0 =	sadd.s32 s4, s31;
	[tilespmem:s3+$0x380] =	vst v8  }
0x122: {  	[hbm4b:s0+s5] =	stream.linear.scatter [tilespmem:s16], [sflag:$0x2], $0x2000, $0x38;
	[tilespmem:$0xD000] =	vst v63  }
0x123: {  	_ =	swait.ge [sflag:s17], $0x2000  }
0x124: {  	[sflag:s17] =	ssyncset.done $0x0  }
0x125: {  	[sflag:s17] =	ssyncadd.s32 $0xFFFFE000  }
0x126: {  	v13 =	vld [tilespmem:s12+$0xFFFFFFF0]  }
0x127: {  	v14 =	vld [tilespmem:s12+$0x0];
	_ =	sdelay $0x3  }
0x128: {  	v8 =	vadd.s32 v0, v13  }
0x129: {  	v9 =	vadd.s32 v0, v14;
	_ =	sdelay $0x3  }
0x12a: {  	v10 =	vld.idx.msk [tilespmem:v8+s14+$0x0], $0xffff  }
0x12b: {  	s0 =	simm.s32 $0x0;
	v11 =	vadd.s32 v1, v13;
	v12 =	vld.idx.msk [tilespmem:v9+s14+$0x0], $0xffff  }
0x12c: {  	s2 =	simm.s32 $0x10;
	s3 =	simm.s32 $0x0;
	s0 =	sand.u32 $0x1C00, s0;
	v15 =	vadd.s32 v1, v14  }
0x12d: {  	s6 =	sadd.s32 $0x20, s12;
	s3 =	sand.u32 $0x60, s3;
	s7 =	sadd.s32 $0x9000, s0  }
0x12e: {  	s2 =	sand.u32 $0x70, s2;
	s0 =	sor.u32 s3, s7;
	v8 =	vld [tilespmem:s6+$0xFFFFFFF0]  }
0x12f: {  	s22 =	sor.u32 s2, s7;
	v9 =	vld [tilespmem:s6+$0x0];
	[tilespmem:s0+$0x0] =	vst v10  }
0x130: {  	[tilespmem:s22+$0x0] =	vst v12;
	v10 =	vld.idx.msk [tilespmem:v11+s14+$0x0], $0xffff  }
0x131: {  	v11 =	vadd.s32 v2, v13;
	v12 =	vld.idx.msk [tilespmem:v15+s14+$0x0], $0xffff  }
0x132: {  	v15 =	vadd.s32 v2, v14;
	_ =	sdelay $0x1  }
0x133: {  	v16 =	vadd.s32 v0, v8  }
0x134: {  	v17 =	vadd.s32 v0, v9;
	[tilespmem:s0+$0x80] =	vst v10  }
0x135: {  	[tilespmem:s22+$0x80] =	vst v12;
	v10 =	vld.idx.msk [tilespmem:v11+s14+$0x0], $0xffff  }
0x136: {  	v11 =	vld.idx.msk [tilespmem:v15+s14+$0x0], $0xffff  }
0x137: {  	v12 =	vadd.s32 v3, v13  }
0x138: {  	v15 =	vld.idx.msk [tilespmem:v16+s14+$0x0], $0xffff;
	v16 =	vadd.s32 v3, v14  }
0x139: {  	s24 =	simm.s32 $0x100;
	s6 =	sadd.s32 $0x20, s6;
	v18 =	vadd.s32 v1, v8;
	v17 =	vld.idx.msk [tilespmem:v17+s14+$0x0], $0xffff  }
0x13a: {  	s25 =	simm.s32 $0x20;
	s2 =	sand.u32 $0x1C00, s24;
	v19 =	vadd.s32 v1, v9;
	[tilespmem:s0+$0x100] =	vst v10;
	v10 =	vld [tilespmem:s6+$0xFFFFFFF0]  }
0x13b: {  	s26 =	simm.s32 $0x30;
	s3 =	sand.u32 $0x60, s25;
	s2 =	sadd.s32 $0x9000, s2;
	[tilespmem:s22+$0x100] =	vst v11;
	v11 =	vld [tilespmem:s6+$0x0]  }
0x13c: {  	s28 =	sand.u32 $0x70, s26;
	s20 =	sor.u32 s3, s2;
	v12 =	vld.idx.msk [tilespmem:v12+s14+$0x0], $0xffff  }
0x13d: {  	s21 =	sor.u32 s28, s2;
	[tilespmem:s20+$0x0] =	vst v15;
	v15 =	vld.idx.msk [tilespmem:v16+s14+$0x0], $0xffff;
	v16 =	vadd.s32 v4, v13  }
0x13e: {  	v20 =	vadd.s32 v4, v14;
	[tilespmem:s21+$0x0] =	vst v17;
	v18 =	vld.idx.msk [tilespmem:v18+s14+$0x0], $0xffff  }
0x13f: {  	v17 =	vld.idx.msk [tilespmem:v19+s14+$0x0], $0xffff;
	v19 =	vadd.s32 v2, v8  }
0x140: {  	v22 =	vadd.s32 v0, v11  }
0x141: {  	[tilespmem:s0+$0x180] =	vst v12;
	v12 =	vadd.s32 v2, v9  }
0x142: {  	[tilespmem:s22+$0x180] =	vst v15;
	v15 =	vadd.s32 v0, v10;
	v16 =	vld.idx.msk [tilespmem:v16+s14+$0x0], $0xffff  }
0x143: {  	[tilespmem:s20+$0x80] =	vst v18;
	v20 =	vld.idx.msk [tilespmem:v20+s14+$0x0], $0xffff  }
0x144: {  	v21 =	vadd.s32 v5, v13;
	v19 =	vld.idx.msk [tilespmem:v19+s14+$0x0], $0xffff  }
0x145: {  	[tilespmem:s21+$0x80] =	vst v17;
	v18 =	vadd.s32 v5, v14;
	v22 =	vld.idx.msk [tilespmem:v22+s14+$0x0], $0xffff  }
0x146: {  	v23 =	vadd.s32 v3, v8;
	v17 =	vld.idx.msk [tilespmem:v12+s14+$0x0], $0xffff  }
0x147: {  	s8 =	sadd.s32 $0x20, s6;
	v15 =	vld.idx.msk [tilespmem:v15+s14+$0x0], $0xffff;
	[tilespmem:s0+$0x200] =	vst v16;
	v16 =	vadd.s32 v3, v9  }
0x148: {  	s29 =	simm.s32 $0x200;
	v12 =	vld [tilespmem:s8+$0xFFFFFFF0];
	[tilespmem:s22+$0x200] =	vst v20;
	v20 =	vadd.s32 v1, v10  }
0x149: {  	s30 =	simm.s32 $0x40;
	s2 =	sand.u32 $0x1C00, s29;
	[tilespmem:s20+$0x100] =	vst v19;
	v19 =	vadd.s32 v1, v11;
	v21 =	vld.idx.msk [tilespmem:v21+s14+$0x0], $0xffff  }
0x14a: {  	s31 =	simm.s32 $0x50;
	s3 =	sand.u32 $0x60, s30;
	s2 =	sadd.s32 $0x9000, s2;
	v24 =	vadd.s32 v6, v13;
	v18 =	vld.idx.msk [tilespmem:v18+s14+$0x0], $0xffff  }
0x14b: {  	s23 =	sor.u32 s3, s2;
	s3 =	sand.u32 $0x70, s31;
	v25 =	vadd.s32 v6, v14;
	v23 =	vld.idx.msk [tilespmem:v23+s14+$0x0], $0xffff;
	[tilespmem:s21+$0x100] =	vst v17  }
0x14c: {  	s24 =	sor.u32 s3, s2;
	[tilespmem:s23+$0x0] =	vst v15;
	v15 =	vld.idx.msk [tilespmem:v16+s14+$0x0], $0xffff  }
0x14d: {  	[tilespmem:s24+$0x0] =	vst v22;
	v17 =	vadd.s32 v4, v8;
	v16 =	vld.idx.msk [tilespmem:v20+s14+$0x0], $0xffff  }
0x14e: {  	v20 =	vadd.s32 v4, v9;
	v19 =	vld.idx.msk [tilespmem:v19+s14+$0x0], $0xffff;
	[tilespmem:s0+$0x280] =	vst v21  }
0x14f: {  	[tilespmem:s22+$0x280] =	vst v18;
	v18 =	vadd.s32 v2, v10;
	v21 =	vld.idx.msk [tilespmem:v24+s14+$0x0], $0xffff  }
0x150: {  	[tilespmem:s20+$0x180] =	vst v23;
	v23 =	vadd.s32 v2, v11;
	v22 =	vld.idx.msk [tilespmem:v25+s14+$0x0], $0xffff  }
0x151: {  	v24 =	vadd.s32 v7, v13;
	v13 =	vld [tilespmem:s8+$0x0]  }
0x152: {  	v14 =	vadd.s32 v7, v14;
	v17 =	vld.idx.msk [tilespmem:v17+s14+$0x0], $0xffff;
	[tilespmem:s21+$0x180] =	vst v15  }
0x153: {  	v25 =	vadd.s32 v0, v12;
	[tilespmem:s23+$0x80] =	vst v16;
	v20 =	vld.idx.msk [tilespmem:v20+s14+$0x0], $0xffff  }
0x154: {  	v26 =	vadd.s32 v5, v8;
	[tilespmem:s24+$0x80] =	vst v19;
	v18 =	vld.idx.msk [tilespmem:v18+s14+$0x0], $0xffff  }
0x155: {  	v27 =	vadd.s32 v5, v9;
	[tilespmem:s0+$0x300] =	vst v21;
	v21 =	vld.idx.msk [tilespmem:v23+s14+$0x0], $0xffff  }
0x156: {  	[tilespmem:s22+$0x300] =	vst v22;
	v29 =	vadd.s32 v0, v13;
	v28 =	vld.idx.msk [tilespmem:v24+s14+$0x0], $0xffff  }
0x157: {  	v19 =	vld.idx.msk [tilespmem:v14+s14+$0x0], $0xffff  }
0x158: {  	v23 =	vadd.s32 v3, v10;
	v24 =	vld.idx.msk [tilespmem:v25+s14+$0x0], $0xffff;
	[tilespmem:s20+$0x200] =	vst v17  }
0x159: {  	v15 =	vadd.s32 v6, v9;
	v22 =	vadd.s32 v3, v11;
	v17 =	vld.idx.msk [tilespmem:v26+s14+$0x0], $0xffff;
	[tilespmem:s21+$0x200] =	vst v20  }
0x15a: {  	s7 =	simm.s32 $0x60;
	s3 =	simm.s32 $0x6;
	s6 =	simm.s32 $0x300;
	v16 =	vadd.s32 v6, v13;
	v26 =	vadd.s32 v1, v12;
	[tilespmem:s23+$0x100] =	vst v18;
	v18 =	vld.idx.msk [tilespmem:v27+s14+$0x0], $0xffff  }
0x15b: {  	s2 =	simm.s32 $0x70;
	s9 =	sand.u32 $0x1C00, s6;
	s8 =	sadd.s32 $0x20, s8;
	v14 =	vadd.s32 v6, v11;
	v20 =	vadd.s32 v6, v8;
	v25 =	vld.idx.msk [tilespmem:v29+s14+$0x0], $0xffff;
	[tilespmem:s0+$0x380] =	vst v28  }
.LBB2_8:
0x15c: {  	v27 =	vld [tilespmem:s8+$0xFFFFFFF0];
	s3 =	sadd.s32 $0x2, s3;
	s0 =	sand.u32 $0x60, s7;
	s7 =	sadd.s32 $0x9000, s9;
	[tilespmem:s22+$0x380] =	vst v19  }
0x15d: {  	v19 =	vadd.s32 v1, v13;
	p0 =	slt.u32 s3, $0x3E;
	s9 =	sor.u32 s0, s7;
	v23 =	vld.idx.msk [tilespmem:v23+s14+$0x0], $0xffff;
	[tilespmem:s24+$0x100] =	vst v21;
	s0 =	smov.u32 s20  }
0x15e: {  	s22 =	smov.u32 s21;
	s20 =	smov.u32 s23;
	[tilespmem:s9+$0x0] =	vst v24;
	v21 =	vld.idx.msk [tilespmem:v22+s14+$0x0], $0xffff;
	s23 =	smov.u32 s9  }
0x15f: {  	s21 =	smov.u32 s24;
	s9 =	sand.u32 $0x70, s2;
	v24 =	vadd.s32 v4, v10;
	v22 =	vld.idx.msk [tilespmem:v26+s14+$0x0], $0xffff;
	[tilespmem:s0+$0x280] =	vst v17  }
0x160: {  	s24 =	sor.u32 s9, s7;
	v17 =	vadd.s32 v4, v11;
	v20 =	vld.idx.msk [tilespmem:v20+s14+$0x0], $0xffff;
	[tilespmem:s22+$0x280] =	vst v18  }
0x161: {  	v18 =	vadd.s32 v2, v12;
	[tilespmem:s24+$0x0] =	vst v25;
	v25 =	vld.idx.msk [tilespmem:v15+s14+$0x0], $0xffff;
	v15 =	vmov v14;
	v14 =	vmov v16  }
0x162: {  	v16 =	vadd.s32 v7, v8;
	v8 =	vmovc v10;
	v10 =	vmov v12;
	v12 =	vmov v27;
	v19 =	vld.idx.msk [tilespmem:v19+s14+$0x0], $0xffff  }
0x163: {  	[tilespmem:s20+$0x180] =	vst v23;
	v23 =	vadd.s32 v7, v9;
	v9 =	vmov v11;
	v11 =	vmov v13;
	v13 =	vld [tilespmem:s8+$0x0]  }
0x164: {  	v26 =	vadd.s32 v2, v11;
	v27 =	vld.idx.msk [tilespmem:v24+s14+$0x0], $0xffff;
	[tilespmem:s21+$0x180] =	vst v21  }
0x165: {  	v24 =	vadd.s32 v0, v12;
	[tilespmem:s23+$0x80] =	vst v22;
	v28 =	vld.idx.msk [tilespmem:v17+s14+$0x0], $0xffff  }
0x166: {  	v17 =	vadd.s32 v5, v8;
	v18 =	vld.idx.msk [tilespmem:v18+s14+$0x0], $0xffff;
	[tilespmem:s0+$0x300] =	vst v20  }
0x167: {  	v20 =	vadd.s32 v5, v9;
	v29 =	vld.idx.msk [tilespmem:v16+s14+$0x0], $0xffff;
	[tilespmem:s22+$0x300] =	vst v25  }
0x168: {  	v25 =	vadd.s32 v0, v13;
	v16 =	vadd.s32 v6, v13;
	[tilespmem:s24+$0x80] =	vst v19;
	v19 =	vld.idx.msk [tilespmem:v23+s14+$0x0], $0xffff  }
.Ltmp3:
0x169: {  	v21 =	vld.idx.msk [tilespmem:v26+s14+$0x0], $0xffff;
	(pc) =	sbr.rel @p0 .LBB2_8-.Ltmp3, $4  }
0x16a: {  	v23 =	vadd.s32 v3, v10;
	v24 =	vld.idx.msk [tilespmem:v24+s14+$0x0], $0xffff;
	[tilespmem:s20+$0x200] =	vst v27  }
0x16b: {  	v22 =	vadd.s32 v3, v11;
	v17 =	vld.idx.msk [tilespmem:v17+s14+$0x0], $0xffff;
	[tilespmem:s21+$0x200] =	vst v28  }
0x16c: {  	s6 =	sadd.s32 $0x100, s6;
	s2 =	sadd.s32 $0x20, s2;
	v26 =	vadd.s32 v1, v12;
	[tilespmem:s23+$0x100] =	vst v18;
	v18 =	vld.idx.msk [tilespmem:v20+s14+$0x0], $0xffff  }
0x16d: {  	s9 =	sand.u32 $0x1C00, s6;
	s7 =	sadd.s32 $0xFFFFFFF0, s2;
	s8 =	sadd.s32 $0x20, s8;
	v20 =	vadd.s32 v6, v8;
	v25 =	vld.idx.msk [tilespmem:v25+s14+$0x0], $0xffff;
	[tilespmem:s0+$0x380] =	vst v29  }
0x16e: {  	v27 =	vadd.s32 v1, v13  }
0x16f: {  	s0 =	sand.u32 $0x60, s7;
	s3 =	sadd.s32 $0x9000, s9  }
0x170: {  	s2 =	sand.u32 $0x70, s2;
	s0 =	sor.u32 s0, s3  }
0x171: {  	s2 =	sor.u32 s2, s3;
	[tilespmem:s0+$0x0] =	vst v24  }
0x172: {  	v24 =	vld.idx.msk [tilespmem:v26+s14+$0x0], $0xffff;
	[tilespmem:s2+$0x0] =	vst v25  }
0x173: {  	v42 =	vadd.s32 v2, v12;
	v43 =	vld.idx.msk [tilespmem:v27+s14+$0x0], $0xffff  }
0x174: {  	v44 =	vadd.s32 v2, v13;
	_ =	sdelay $0x2  }
0x175: {  	[tilespmem:s0+$0x80] =	vst v24  }
0x176: {  	v24 =	vld.idx.msk [tilespmem:v42+s14+$0x0], $0xffff;
	[tilespmem:s2+$0x80] =	vst v43  }
0x177: {  	v46 =	vadd.s32 v3, v12;
	v45 =	vld.idx.msk [tilespmem:v44+s14+$0x0], $0xffff  }
0x178: {  	v47 =	vadd.s32 v3, v13;
	_ =	sdelay $0x1  }
0x179: {  	v23 =	vld.idx.msk [tilespmem:v23+s14+$0x0], $0xffff;
	[tilespmem:s24+$0x100] =	vst v21  }
0x17a: {  	v48 =	vadd.s32 v4, v10;
	v21 =	vld.idx.msk [tilespmem:v22+s14+$0x0], $0xffff;
	[tilespmem:s0+$0x100] =	vst v24  }
0x17b: {  	v49 =	vadd.s32 v4, v11;
	v26 =	vld.idx.msk [tilespmem:v46+s14+$0x0], $0xffff;
	[tilespmem:s2+$0x100] =	vst v45  }
0x17c: {  	v50 =	vadd.s32 v4, v12;
	v25 =	vld.idx.msk [tilespmem:v47+s14+$0x0], $0xffff  }
0x17d: {  	v28 =	vadd.s32 v4, v13  }
0x17e: {  	[tilespmem:s23+$0x180] =	vst v23  }
0x17f: {  	v22 =	vld.idx.msk [tilespmem:v48+s14+$0x0], $0xffff;
	[tilespmem:s24+$0x180] =	vst v21  }
0x180: {  	v51 =	vadd.s32 v5, v10;
	v21 =	vld.idx.msk [tilespmem:v49+s14+$0x0], $0xffff;
	[tilespmem:s0+$0x180] =	vst v26  }
0x181: {  	v52 =	vadd.s32 v5, v11;
	v26 =	vld.idx.msk [tilespmem:v50+s14+$0x0], $0xffff;
	[tilespmem:s2+$0x180] =	vst v25  }
0x182: {  	v53 =	vadd.s32 v5, v12;
	v25 =	vld.idx.msk [tilespmem:v28+s14+$0x0], $0xffff  }
0x183: {  	[tilespmem:s22+$0x380] =	vst v19;
	v54 =	vadd.s32 v5, v13  }
0x184: {  	[tilespmem:s23+$0x200] =	vst v22  }
0x185: {  	v22 =	vld.idx.msk [tilespmem:v51+s14+$0x0], $0xffff;
	[tilespmem:s24+$0x200] =	vst v21  }
0x186: {  	v55 =	vadd.s32 v6, v10;
	v21 =	vld.idx.msk [tilespmem:v52+s14+$0x0], $0xffff;
	[tilespmem:s0+$0x200] =	vst v26  }
0x187: {  	v56 =	vld.idx.msk [tilespmem:v53+s14+$0x0], $0xffff;
	[tilespmem:s2+$0x200] =	vst v25  }
0x188: {  	v58 =	vadd.s32 v6, v12;
	[tilespmem:s20+$0x280] =	vst v17;
	v57 =	vld.idx.msk [tilespmem:v54+s14+$0x0], $0xffff  }
0x189: {  	v20 =	vld.idx.msk [tilespmem:v20+s14+$0x0], $0xffff;
	[tilespmem:s21+$0x280] =	vst v18  }
0x18a: {  	v8 =	vadd.s32 v7, v8;
	v15 =	vld.idx.msk [tilespmem:v15+s14+$0x0], $0xffff;
	[tilespmem:s23+$0x280] =	vst v22  }
0x18b: {  	v9 =	vadd.s32 v7, v9;
	v59 =	vld.idx.msk [tilespmem:v55+s14+$0x0], $0xffff;
	[tilespmem:s24+$0x280] =	vst v21  }
0x18c: {  	v60 =	vadd.s32 v7, v10;
	v14 =	vld.idx.msk [tilespmem:v14+s14+$0x0], $0xffff;
	[tilespmem:s0+$0x280] =	vst v56  }
0x18d: {  	v61 =	vadd.s32 v7, v11;
	v19 =	vld.idx.msk [tilespmem:v58+s14+$0x0], $0xffff;
	[tilespmem:s2+$0x280] =	vst v57  }
0x18e: {  	v62 =	vadd.s32 v7, v12;
	[tilespmem:s20+$0x300] =	vst v20;
	v16 =	vld.idx.msk [tilespmem:v16+s14+$0x0], $0xffff  }
0x18f: {  	v63 =	vadd.s32 v7, v13;
	v8 =	vld.idx.msk [tilespmem:v8+s14+$0x0], $0xffff;
	[tilespmem:s21+$0x300] =	vst v15  }
0x190: {  	v9 =	vld.idx.msk [tilespmem:v9+s14+$0x0], $0xffff;
	[tilespmem:s23+$0x300] =	vst v59  }
0x191: {  	v10 =	vld.idx.msk [tilespmem:v60+s14+$0x0], $0xffff;
	[tilespmem:s24+$0x300] =	vst v14  }
0x192: {  	v11 =	vld.idx.msk [tilespmem:v61+s14+$0x0], $0xffff;
	[tilespmem:s0+$0x300] =	vst v19  }
0x193: {  	v12 =	vld.idx.msk [tilespmem:v62+s14+$0x0], $0xffff;
	[tilespmem:s2+$0x300] =	vst v16  }
0x194: {  	[tilespmem:s20+$0x380] =	vst v8;
	v8 =	vld.idx.msk [tilespmem:v63+s14+$0x0], $0xffff  }
0x195: {  	[tilespmem:s21+$0x380] =	vst v9  }
0x196: {  	[tilespmem:s23+$0x380] =	vst v10  }
0x197: {  	[tilespmem:s24+$0x380] =	vst v11  }
0x198: {  	[tilespmem:s0+$0x380] =	vst v12  }
0x199: {  	[tilespmem:s2+$0x380] =	vst v8  }
0x19a: {  	s0 =	rddreg [dreg:$0x6]  }
0x19b: {  	[hbm4b:s0+s5] =	stream.linear.scatter [tilespmem:s15], [sflag:$0x1], $0x2000, $0x38;
	[tilespmem:$0xD000] =	vst v63  }
0x19c: {  	_ =	swait.ge [sflag:s17], $0x2000  }
0x19d: {  	[sflag:s17] =	ssyncset.done $0x0  }
0x19e: {  	[sflag:s17] =	ssyncadd.s32 $0xFFFFE000  }
0x19f: {  	_ =	swait.ge [sflag:s18], $0x2000  }
0x1a0: {  	s19 =	sadd.s32 $0x1, s19;
	s31 =	rddreg [dreg:$0x7]  }
0x1a1: {  	p0 =	sne.s32 s19, s31  }
.Ltmp4:
0x1a2: {  	_ = 	snop;
	(pc) =	sbr.rel @p0 .LBB2_1-.Ltmp4, $3  }
0x1a3: {  	_ =	sdelay $0x1  }
0x1a4: {  	[sflag:s18] =	ssyncset.done $0x0  }
0x1a5: {  	[sflag:s18] =	ssyncadd.s32 $0xFFFFE000  }
0x1a6: {  	_ =	sfence.sel $0x180000  }
0x1a7: {  	[bflag:$0x0] =	sbarrier.arrive $0xFFFF  }
0x1a8: {  	_ =	strace $0x90000047  }
0x1a9: {  	s0 =	stileid.u32;
	[bflag:$0x2] =	sbarrier.arrive $0xFFFF  }
0x1aa: {  	p0 =	sne.s32 s0, $0x0;
	s0 =	rddreg [dreg:$0x3]  }
0x1ab: {  	s0 =	sadd.s32 @!p0 $0x100000, s0  }
0x1ac: {  	[sflag:s0] =	ssyncadd.tile.s32 @!p0 $0x1;
	_ =	shalt  }
.Lfunc_end2:
_tile_overlayer_lowered:
.L_overlay_start_2:
0x1ad: {  	(tag) =	ssettag $0x2  }
0x1ae: {  	s0 =	rddreg [dreg:$0x0];
	s2 =	stileid.u32  }
0x1af: {  	s1 =	rddreg [dreg:$0x1];
	p0 =	sne.s32 s2, $0x0  }
0x1b0: {  	s3 =	rddreg [dreg:$0x2];
	[bflag:$0x3] =	sbarrier.arrive $0xFFFF;
	s2 =	simm.s32 @!p0 $0x1C03  }
0x1b1: {  	[timem:s3], [sflag:s2] =	dma.local @!p0 [hbm:s0], s1  }
0x1b2: {  	s0 =	simm.s32 @!p0 $0x3  }
0x1b3: {  	_ =	swait.ge @!p0 [sflag:s0], s1  }
0x1b4: {  	s1 =	ssub.s32 @!p0 $0x0, s1;
	[sflag:s0] =	ssyncset.done @!p0 $0x0  }
0x1b5: {  	[sflag:s0] =	ssyncadd.s32 @!p0 s1  }
0x1b6: {  	[bflag:$0x3] =	sbarrier.arrive $0xFFFF  }
0x1b7: {  	_ =	shalt  }

</sc_bundles>
